<compile_context>
chip_gen: v7x
topology: tpu7x:2x2x1
jax: 0.10.2.dev20260603
libtpu: 0.0.44.dev20260713+nightly
codegen_flags: <defaults>
</compile_context>

<pallas_src>
import functools

import jax
import jax.numpy as jnp
from jax import lax
from jax.experimental import pallas as pl
from jax.experimental.pallas import tpu as pltpu
from jax.experimental.pallas import tpu_sc as plsc

ROWS = 128
COLS = 32768
LANES = 16
NUM_WORKERS = 16
TROW = 8
SC_TROWS = 8
SC_ROWS = SC_TROWS * TROW
SEGS = NUM_WORKERS // SC_TROWS
SEG = COLS // SEGS
CHUNK = 2048
CHUNKS = SEG // CHUNK
STEPS = CHUNK // LANES
NBUF = 4

_INT_MAX = 2147483647


def _argmin_body(x_hbm, val_hbm, idx_hbm, buf, outv_val, outv_idx,
                 sem0, sem1, sem2, sem3):
    sems = (sem0, sem1, sem2, sem3)
    wid = lax.axis_index("s") + lax.axis_index("c")
    trow = wid // SEGS
    seg = wid % SEGS
    row0 = trow * TROW
    col0 = seg * SEG
    iota = lax.iota(jnp.int32, LANES)

    def start(c):
        return pltpu.async_copy(
            x_hbm.at[pl.ds(row0, TROW), pl.ds(col0 + c * CHUNK, CHUNK)],
            buf.at[c % NBUF], sems[c % NBUF])

    copies = [None] * NBUF
    for c in range(min(NBUF - 1, CHUNKS)):
        copies[c] = start(c)

    accv = [jnp.full((LANES,), jnp.inf, jnp.float32) for _ in range(TROW)]
    accs = [jnp.zeros((LANES,), jnp.int32) for _ in range(TROW)]

    for c in range(CHUNKS):
        b = c % NBUF
        if c + NBUF - 1 < CHUNKS:
            copies[(c + NBUF - 1) % NBUF] = start(c + NBUF - 1)
        copies[b].wait()

        def p1_body(k, carry, b=b, c=c):
            vs = list(carry[0])
            ss = list(carry[1])
            stamp = jnp.zeros((LANES,), jnp.int32) + (c * STEPS + k)
            for s in range(TROW):
                v = buf[b, s, pl.ds(k * LANES, LANES)]
                m = v < vs[s]
                vs[s] = jnp.where(m, v, vs[s])
                ss[s] = jnp.where(m, stamp, ss[s])
            return (tuple(vs), tuple(ss))

        accv_t, accs_t = plsc.parallel_loop(
            0, STEPS, 1, carry=(tuple(accv), tuple(accs)))(p1_body)
        accv = list(accv_t)
        accs = list(accs_t)

    val_v = jnp.zeros((LANES,), jnp.float32)
    idx_v = jnp.zeros((LANES,), jnp.int32)
    for s in range(TROW):
        rowmin = jnp.min(accv[s])
        colvec = accs[s] * LANES + iota + col0
        cand = jnp.where(accv[s] == rowmin, colvec, jnp.int32(_INT_MAX))
        rowidx = jnp.min(cand)
        val_v = jnp.where(iota == s, rowmin, val_v)
        idx_v = jnp.where(iota == s, rowidx, idx_v)

    outv_val[...] = val_v
    outv_idx[...] = idx_v
    pltpu.sync_copy(outv_val, val_hbm.at[wid])
    pltpu.sync_copy(outv_idx, idx_hbm.at[wid])


def _tc_body(x_ref, out_ref):
    blk = x_ref[...]
    m = jnp.min(blk, axis=1, keepdims=True)
    idx = lax.broadcasted_iota(jnp.int32, blk.shape, 1)
    cand = jnp.where(blk == m, idx, jnp.int32(_INT_MAX))
    mi = jnp.min(cand, axis=1, keepdims=True)
    out_ref[...] = jnp.broadcast_to(mi, (TROW, 128))


def kernel(x):
    tc_trows = ROWS // TROW - SC_TROWS
    tc_out = pl.pallas_call(
        _tc_body,
        grid=(tc_trows,),
        in_specs=[pl.BlockSpec((TROW, COLS), lambda i: (i + SC_TROWS, 0))],
        out_specs=pl.BlockSpec((TROW, 128), lambda i: (i, 0)),
        out_shape=jax.ShapeDtypeStruct((tc_trows * TROW, 128), jnp.int32),
    )(x)

    mesh = plsc.VectorSubcoreMesh(core_axis_name="c", subcore_axis_name="s",
                                  num_cores=1)
    sc_k = functools.partial(
        pl.kernel,
        mesh=mesh,
        out_type=(
            jax.ShapeDtypeStruct((NUM_WORKERS, LANES), jnp.float32),
            jax.ShapeDtypeStruct((NUM_WORKERS, LANES), jnp.int32),
        ),
        scratch_types=[
            pltpu.VMEM((NBUF, TROW, CHUNK), jnp.float32),
            pltpu.VMEM((LANES,), jnp.float32),
            pltpu.VMEM((LANES,), jnp.int32),
            pltpu.SemaphoreType.DMA,
            pltpu.SemaphoreType.DMA,
            pltpu.SemaphoreType.DMA,
            pltpu.SemaphoreType.DMA,
        ],
        compiler_params=pltpu.CompilerParams(
            needs_layout_passes=False,
            skip_device_barrier=True,
            disable_bounds_checks=True,
            disable_semaphore_checks=True,
        ),
    )(_argmin_body)
    vals, idxs = sc_k(x)

    v = vals[:, :TROW].reshape(SC_TROWS, SEGS, TROW)
    i = idxs[:, :TROW].reshape(SC_TROWS, SEGS, TROW)
    take_hi = v[:, 1] < v[:, 0]
    y_sc = jnp.where(take_hi, i[:, 1], i[:, 0]).reshape(SC_ROWS)
    y_tc = tc_out[:, 0]
    return jnp.concatenate([y_sc, y_tc]).reshape(ROWS, 1)

# --- scband reference (transcript-rebuilt; emitter-appended) ---
"""Pipeline reference for scband-model-10840497455562 (READ-ONLY COPY).

The authoritative reference and input builder live on the scoring server;
editing this copy changes nothing except your own understanding.
"""

import jax, jax.numpy as jnp
import numpy as np

ARGMIN_DIM = 1

def setup_inputs(seed: int = 0) -> dict:
    key = jax.random.key(seed)
    x = jax.random.normal(key, (128, 32768), dtype=jnp.float32)
    return {"x": x}

def reference(x):
    y = jnp.argmin(x, axis=ARGMIN_DIM, keepdims=True)
    return y

if __name__ == "__main__":
    import jax
    _d = setup_inputs()
    print(jax.jit(kernel)(*tuple(_d.values())))

</pallas_src>

<mosaic_0001>
#map = affine_map<(d0, d1) -> (0, 0)>
module attributes {stable_mosaic.version = 14 : i64} {
  func.func @_argmin_body(%arg0: i32, %arg1: i32, %arg2: memref<128x32768xf32, #tpu.memory_space<hbm>>, %arg3: memref<16x16xf32, #tpu.memory_space<hbm>>, %arg4: memref<16x16xi32, #tpu.memory_space<hbm>>, %arg5: memref<4x8x2048xf32, #tpu.memory_space<vmem>>, %arg6: memref<16xf32, #tpu.memory_space<vmem>>, %arg7: memref<16xi32, #tpu.memory_space<vmem>>, %arg8: memref<!tpu.dma_semaphore, #tpu.memory_space<semaphore_mem>>, %arg9: memref<!tpu.dma_semaphore, #tpu.memory_space<semaphore_mem>>, %arg10: memref<!tpu.dma_semaphore, #tpu.memory_space<semaphore_mem>>, %arg11: memref<!tpu.dma_semaphore, #tpu.memory_space<semaphore_mem>>) attributes {dimension_semantics = [#tpu.dimension_semantics<core_parallel>, #tpu.dimension_semantics<subcore_parallel>], iteration_bounds = array<i64: 1, 16>, scalar_prefetch = 0 : i64, scratch_operands = 7 : i64, tpu.core_type = #tpu.core_type<sc_vector_subcore>, window_params = [{transform_indices = #map}, {transform_indices = #map}, {transform_indices = #map}]} {
    %add3A = arith.addi %arg1, %arg0 : i32
    %jit3A = arith.constant 2 : i32
    %div3A = arith.divsi %add3A, %jit3A : i32
    %sign3A = arith.constant 0 : i32
    %sign3A_0 = arith.cmpi sgt, %add3A, %sign3A : i32
    %sign3A_1 = arith.extui %sign3A_0 : i1 to i32
    %sign3A_2 = arith.constant 0 : i32
    %sign3A_3 = arith.cmpi slt, %add3A, %sign3A_2 : i32
    %sign3A_4 = arith.extui %sign3A_3 : i1 to i32
    %sign3A_5 = arith.subi %sign3A_1, %sign3A_4 : i32
    %sign3A_6 = arith.constant 0 : i32
    %sign3A_7 = arith.cmpi sgt, %jit3A, %sign3A_6 : i32
    %sign3A_8 = arith.extui %sign3A_7 : i1 to i32
    %sign3A_9 = arith.constant 0 : i32
    %sign3A_10 = arith.cmpi slt, %jit3A, %sign3A_9 : i32
    %sign3A_11 = arith.extui %sign3A_10 : i1 to i32
    %sign3A_12 = arith.subi %sign3A_8, %sign3A_11 : i32
    %ne3A = arith.cmpi ne, %sign3A_5, %sign3A_12 : i32
    %rem3A = arith.remsi %add3A, %jit3A : i32
    %ne3A_13 = arith.constant 0 : i32
    %ne3A_14 = arith.cmpi ne, %rem3A, %ne3A_13 : i32
    %and3A = arith.andi %ne3A, %ne3A_14 : i1
    %sub3A = arith.constant 1 : i32
    %sub3A_15 = arith.subi %div3A, %sub3A : i32
    %select_n3A = arith.select %and3A, %sub3A_15, %div3A : i32
    %jit3A_16 = arith.constant 2 : i32
    %eq3A = arith.constant 0 : i32
    %eq3A_17 = arith.cmpi eq, %jit3A_16, %eq3A : i32
    %jit3A_18 = arith.constant 1 : i32
    %select_n3A_19 = arith.select %eq3A_17, %jit3A_18, %jit3A_16 : i32
    %rem3A_20 = arith.remsi %add3A, %select_n3A_19 : i32
    %ne3A_21 = arith.constant 0 : i32
    %ne3A_22 = arith.cmpi ne, %rem3A_20, %ne3A_21 : i32
    %lt3A = arith.constant 0 : i32
    %lt3A_23 = arith.cmpi slt, %rem3A_20, %lt3A : i32
    %lt3A_24 = arith.constant 0 : i32
    %lt3A_25 = arith.cmpi slt, %select_n3A_19, %lt3A_24 : i32
    %ne3A_26 = arith.xori %lt3A_23, %lt3A_25 : i1
    %and3A_27 = arith.andi %ne3A_26, %ne3A_22 : i1
    %add3A_28 = arith.addi %rem3A_20, %select_n3A_19 : i32
    %select_n3A_29 = arith.select %and3A_27, %add3A_28, %rem3A_20 : i32
    %mul3A = arith.constant 8 : i32
    %mul3A_30 = arith.muli %select_n3A, %mul3A : i32
    %mul3A_31 = arith.constant 16384 : i32
    %mul3A_32 = arith.muli %select_n3A_29, %mul3A_31 : i32
    %iota3A = tpu.iota {dimensions = array<i32: 0>} : vector<16xi32>
    %add3A_33 = arith.constant 0 : i32
    %add3A_34 = arith.addi %mul3A_32, %add3A_33 : i32
    %dma_start3A = arith.constant 0 : i32
    %dma_start3A_35 = arith.constant 0 : i32
    %dma_start3A_36 = arith.constant 0 : i32
    %dma_start3A_37 = tpu.memref_slice %arg5[%dma_start3A, %dma_start3A_35, %dma_start3A_36] : memref<4x8x2048xf32, #tpu.memory_space<vmem>> -> memref<1x8x2048xf32, #tpu.memory_space<vmem>>
    %dma_start3A_38 = tpu.memref_squeeze %dma_start3A_37 : memref<1x8x2048xf32, #tpu.memory_space<vmem>> -> memref<8x2048xf32, #tpu.memory_space<vmem>>
    %dma_start3A_39 = tpu.memref_slice %arg2[%mul3A_30, %add3A_34] : memref<128x32768xf32, #tpu.memory_space<hbm>> -> memref<8x2048xf32, #tpu.memory_space<hbm>>
    %dma_start3A_40 = arith.constant 0 : i32
    %dma_start3A_41 = arith.constant 0 : i32
    %dma_start3A_42 = tpu.memref_slice %arg5[%dma_start3A, %dma_start3A_40, %dma_start3A_41] : memref<4x8x2048xf32, #tpu.memory_space<vmem>> -> memref<1x8x2048xf32, #tpu.memory_space<vmem>>
    %dma_start3A_43 = tpu.memref_squeeze %dma_start3A_42 : memref<1x8x2048xf32, #tpu.memory_space<vmem>> -> memref<8x2048xf32, #tpu.memory_space<vmem>>
    %dma_start3A_44 = tpu.memref_slice %arg2[%mul3A_30, %add3A_34] : memref<128x32768xf32, #tpu.memory_space<hbm>> -> memref<8x2048xf32, #tpu.memory_space<hbm>>
    tpu.enqueue_dma source(%dma_start3A_44 : memref<8x2048xf32, #tpu.memory_space<hbm>>) target(%dma_start3A_43 : memref<8x2048xf32, #tpu.memory_space<vmem>>) target_semaphore(%arg8 : memref<!tpu.dma_semaphore, #tpu.memory_space<semaphore_mem>>)
    %add3A_45 = arith.constant 2048 : i32
    %add3A_46 = arith.addi %mul3A_32, %add3A_45 : i32
    %dma_start3A_47 = arith.constant 1 : i32
    %dma_start3A_48 = arith.constant 0 : i32
    %dma_start3A_49 = arith.constant 0 : i32
    %dma_start3A_50 = tpu.memref_slice %arg5[%dma_start3A_47, %dma_start3A_48, %dma_start3A_49] : memref<4x8x2048xf32, #tpu.memory_space<vmem>> -> memref<1x8x2048xf32, #tpu.memory_space<vmem>>
    %dma_start3A_51 = tpu.memref_squeeze %dma_start3A_50 : memref<1x8x2048xf32, #tpu.memory_space<vmem>> -> memref<8x2048xf32, #tpu.memory_space<vmem>>
    %dma_start3A_52 = tpu.memref_slice %arg2[%mul3A_30, %add3A_46] : memref<128x32768xf32, #tpu.memory_space<hbm>> -> memref<8x2048xf32, #tpu.memory_space<hbm>>
    %dma_start3A_53 = arith.constant 0 : i32
    %dma_start3A_54 = arith.constant 0 : i32
    %dma_start3A_55 = tpu.memref_slice %arg5[%dma_start3A_47, %dma_start3A_53, %dma_start3A_54] : memref<4x8x2048xf32, #tpu.memory_space<vmem>> -> memref<1x8x2048xf32, #tpu.memory_space<vmem>>
    %dma_start3A_56 = tpu.memref_squeeze %dma_start3A_55 : memref<1x8x2048xf32, #tpu.memory_space<vmem>> -> memref<8x2048xf32, #tpu.memory_space<vmem>>
    %dma_start3A_57 = tpu.memref_slice %arg2[%mul3A_30, %add3A_46] : memref<128x32768xf32, #tpu.memory_space<hbm>> -> memref<8x2048xf32, #tpu.memory_space<hbm>>
    tpu.enqueue_dma source(%dma_start3A_57 : memref<8x2048xf32, #tpu.memory_space<hbm>>) target(%dma_start3A_56 : memref<8x2048xf32, #tpu.memory_space<vmem>>) target_semaphore(%arg9 : memref<!tpu.dma_semaphore, #tpu.memory_space<semaphore_mem>>)
    %add3A_58 = arith.constant 4096 : i32
    %add3A_59 = arith.addi %mul3A_32, %add3A_58 : i32
    %dma_start3A_60 = arith.constant 2 : i32
    %dma_start3A_61 = arith.constant 0 : i32
    %dma_start3A_62 = arith.constant 0 : i32
    %dma_start3A_63 = tpu.memref_slice %arg5[%dma_start3A_60, %dma_start3A_61, %dma_start3A_62] : memref<4x8x2048xf32, #tpu.memory_space<vmem>> -> memref<1x8x2048xf32, #tpu.memory_space<vmem>>
    %dma_start3A_64 = tpu.memref_squeeze %dma_start3A_63 : memref<1x8x2048xf32, #tpu.memory_space<vmem>> -> memref<8x2048xf32, #tpu.memory_space<vmem>>
    %dma_start3A_65 = tpu.memref_slice %arg2[%mul3A_30, %add3A_59] : memref<128x32768xf32, #tpu.memory_space<hbm>> -> memref<8x2048xf32, #tpu.memory_space<hbm>>
    %dma_start3A_66 = arith.constant 0 : i32
    %dma_start3A_67 = arith.constant 0 : i32
    %dma_start3A_68 = tpu.memref_slice %arg5[%dma_start3A_60, %dma_start3A_66, %dma_start3A_67] : memref<4x8x2048xf32, #tpu.memory_space<vmem>> -> memref<1x8x2048xf32, #tpu.memory_space<vmem>>
    %dma_start3A_69 = tpu.memref_squeeze %dma_start3A_68 : memref<1x8x2048xf32, #tpu.memory_space<vmem>> -> memref<8x2048xf32, #tpu.memory_space<vmem>>
    %dma_start3A_70 = tpu.memref_slice %arg2[%mul3A_30, %add3A_59] : memref<128x32768xf32, #tpu.memory_space<hbm>> -> memref<8x2048xf32, #tpu.memory_space<hbm>>
    tpu.enqueue_dma source(%dma_start3A_70 : memref<8x2048xf32, #tpu.memory_space<hbm>>) target(%dma_start3A_69 : memref<8x2048xf32, #tpu.memory_space<vmem>>) target_semaphore(%arg10 : memref<!tpu.dma_semaphore, #tpu.memory_space<semaphore_mem>>)
    %broadcast_in_dim3A = arith.constant 0x7F800000 : f32
    %broadcast_in_dim3A_71 = vector.broadcast %broadcast_in_dim3A : f32 to vector<16xf32>
    %broadcast_in_dim3A_72 = arith.constant 0x7F800000 : f32
    %broadcast_in_dim3A_73 = vector.broadcast %broadcast_in_dim3A_72 : f32 to vector<16xf32>
    %broadcast_in_dim3A_74 = arith.constant 0x7F800000 : f32
    %broadcast_in_dim3A_75 = vector.broadcast %broadcast_in_dim3A_74 : f32 to vector<16xf32>
    %broadcast_in_dim3A_76 = arith.constant 0x7F800000 : f32
    %broadcast_in_dim3A_77 = vector.broadcast %broadcast_in_dim3A_76 : f32 to vector<16xf32>
    %broadcast_in_dim3A_78 = arith.constant 0x7F800000 : f32
    %broadcast_in_dim3A_79 = vector.broadcast %broadcast_in_dim3A_78 : f32 to vector<16xf32>
    %broadcast_in_dim3A_80 = arith.constant 0x7F800000 : f32
    %broadcast_in_dim3A_81 = vector.broadcast %broadcast_in_dim3A_80 : f32 to vector<16xf32>
    %broadcast_in_dim3A_82 = arith.constant 0x7F800000 : f32
    %broadcast_in_dim3A_83 = vector.broadcast %broadcast_in_dim3A_82 : f32 to vector<16xf32>
    %broadcast_in_dim3A_84 = arith.constant 0x7F800000 : f32
    %broadcast_in_dim3A_85 = vector.broadcast %broadcast_in_dim3A_84 : f32 to vector<16xf32>
    %broadcast_in_dim3A_86 = arith.constant 0 : i32
    %broadcast_in_dim3A_87 = vector.broadcast %broadcast_in_dim3A_86 : i32 to vector<16xi32>
    %broadcast_in_dim3A_88 = arith.constant 0 : i32
    %broadcast_in_dim3A_89 = vector.broadcast %broadcast_in_dim3A_88 : i32 to vector<16xi32>
    %broadcast_in_dim3A_90 = arith.constant 0 : i32
    %broadcast_in_dim3A_91 = vector.broadcast %broadcast_in_dim3A_90 : i32 to vector<16xi32>
    %broadcast_in_dim3A_92 = arith.constant 0 : i32
    %broadcast_in_dim3A_93 = vector.broadcast %broadcast_in_dim3A_92 : i32 to vector<16xi32>
    %broadcast_in_dim3A_94 = arith.constant 0 : i32
    %broadcast_in_dim3A_95 = vector.broadcast %broadcast_in_dim3A_94 : i32 to vector<16xi32>
    %broadcast_in_dim3A_96 = arith.constant 0 : i32
    %broadcast_in_dim3A_97 = vector.broadcast %broadcast_in_dim3A_96 : i32 to vector<16xi32>
    %broadcast_in_dim3A_98 = arith.constant 0 : i32
    %broadcast_in_dim3A_99 = vector.broadcast %broadcast_in_dim3A_98 : i32 to vector<16xi32>
    %broadcast_in_dim3A_100 = arith.constant 0 : i32
    %broadcast_in_dim3A_101 = vector.broadcast %broadcast_in_dim3A_100 : i32 to vector<16xi32>
    %add3A_102 = arith.constant 6144 : i32
    %add3A_103 = arith.addi %mul3A_32, %add3A_102 : i32
    %dma_start3A_104 = arith.constant 3 : i32
    %dma_start3A_105 = arith.constant 0 : i32
    %dma_start3A_106 = arith.constant 0 : i32
    %dma_start3A_107 = tpu.memref_slice %arg5[%dma_start3A_104, %dma_start3A_105, %dma_start3A_106] : memref<4x8x2048xf32, #tpu.memory_space<vmem>> -> memref<1x8x2048xf32, #tpu.memory_space<vmem>>
    %dma_start3A_108 = tpu.memref_squeeze %dma_start3A_107 : memref<1x8x2048xf32, #tpu.memory_space<vmem>> -> memref<8x2048xf32, #tpu.memory_space<vmem>>
    %dma_start3A_109 = tpu.memref_slice %arg2[%mul3A_30, %add3A_103] : memref<128x32768xf32, #tpu.memory_space<hbm>> -> memref<8x2048xf32, #tpu.memory_space<hbm>>
    %dma_start3A_110 = arith.constant 0 : i32
    %dma_start3A_111 = arith.constant 0 : i32
    %dma_start3A_112 = tpu.memref_slice %arg5[%dma_start3A_104, %dma_start3A_110, %dma_start3A_111] : memref<4x8x2048xf32, #tpu.memory_space<vmem>> -> memref<1x8x2048xf32, #tpu.memory_space<vmem>>
    %dma_start3A_113 = tpu.memref_squeeze %dma_start3A_112 : memref<1x8x2048xf32, #tpu.memory_space<vmem>> -> memref<8x2048xf32, #tpu.memory_space<vmem>>
    %dma_start3A_114 = tpu.memref_slice %arg2[%mul3A_30, %add3A_103] : memref<128x32768xf32, #tpu.memory_space<hbm>> -> memref<8x2048xf32, #tpu.memory_space<hbm>>
    tpu.enqueue_dma source(%dma_start3A_114 : memref<8x2048xf32, #tpu.memory_space<hbm>>) target(%dma_start3A_113 : memref<8x2048xf32, #tpu.memory_space<vmem>>) target_semaphore(%arg11 : memref<!tpu.dma_semaphore, #tpu.memory_space<semaphore_mem>>)
    %dma_wait3A = arith.constant 0 : i32
    %dma_wait3A_115 = arith.constant 0 : i32
    %dma_wait3A_116 = arith.constant 0 : i32
    %dma_wait3A_117 = tpu.memref_slice %arg5[%dma_wait3A, %dma_wait3A_115, %dma_wait3A_116] : memref<4x8x2048xf32, #tpu.memory_space<vmem>> -> memref<1x8x2048xf32, #tpu.memory_space<vmem>>
    %dma_wait3A_118 = tpu.memref_squeeze %dma_wait3A_117 : memref<1x8x2048xf32, #tpu.memory_space<vmem>> -> memref<8x2048xf32, #tpu.memory_space<vmem>>
    %dma_wait3A_119 = tpu.memref_slice %arg2[%mul3A_30, %add3A_34] : memref<128x32768xf32, #tpu.memory_space<hbm>> -> memref<8x2048xf32, #tpu.memory_space<hbm>>
    %dma_wait3A_120 = arith.constant 0 : i32
    %dma_wait3A_121 = arith.constant 0 : i32
    %dma_wait3A_122 = tpu.memref_slice %arg5[%dma_wait3A, %dma_wait3A_120, %dma_wait3A_121] : memref<4x8x2048xf32, #tpu.memory_space<vmem>> -> memref<1x8x2048xf32, #tpu.memory_space<vmem>>
    %dma_wait3A_123 = tpu.memref_squeeze %dma_wait3A_122 : memref<1x8x2048xf32, #tpu.memory_space<vmem>> -> memref<8x2048xf32, #tpu.memory_space<vmem>>
    %dma_wait3A_124 = tpu.memref_slice %arg2[%mul3A_30, %add3A_34] : memref<128x32768xf32, #tpu.memory_space<hbm>> -> memref<8x2048xf32, #tpu.memory_space<hbm>>
    tpu.wait_dma2 semaphore(%arg8 : memref<!tpu.dma_semaphore, #tpu.memory_space<semaphore_mem>>) src(%dma_wait3A_124 : memref<8x2048xf32, #tpu.memory_space<hbm>>) dst(%dma_wait3A_123 : memref<8x2048xf32, #tpu.memory_space<vmem>>)
    %parallel_loop3A = arith.constant 0 : i32
    %parallel_loop3A_125 = arith.constant 128 : i32
    %parallel_loop3A_126 = arith.constant 1 : i32
    %parallel_loop3A_127:16 = scf.for %parallel_loop3A_555 = %parallel_loop3A to %parallel_loop3A_125 step %parallel_loop3A_126 iter_args(%parallel_loop3A_556 = %broadcast_in_dim3A_71, %parallel_loop3A_557 = %broadcast_in_dim3A_73, %parallel_loop3A_558 = %broadcast_in_dim3A_75, %parallel_loop3A_559 = %broadcast_in_dim3A_77, %parallel_loop3A_560 = %broadcast_in_dim3A_79, %parallel_loop3A_561 = %broadcast_in_dim3A_81, %parallel_loop3A_562 = %broadcast_in_dim3A_83, %parallel_loop3A_563 = %broadcast_in_dim3A_85, %parallel_loop3A_564 = %broadcast_in_dim3A_87, %parallel_loop3A_565 = %broadcast_in_dim3A_89, %parallel_loop3A_566 = %broadcast_in_dim3A_91, %parallel_loop3A_567 = %broadcast_in_dim3A_93, %parallel_loop3A_568 = %broadcast_in_dim3A_95, %parallel_loop3A_569 = %broadcast_in_dim3A_97, %parallel_loop3A_570 = %broadcast_in_dim3A_99, %parallel_loop3A_571 = %broadcast_in_dim3A_101) -> (vector<16xf32>, vector<16xf32>, vector<16xf32>, vector<16xf32>, vector<16xf32>, vector<16xf32>, vector<16xf32>, vector<16xf32>, vector<16xi32>, vector<16xi32>, vector<16xi32>, vector<16xi32>, vector<16xi32>, vector<16xi32>, vector<16xi32>, vector<16xi32>)  : i32 {
      %parallel_loop3A_572 = arith.constant 0 : i32
      %parallel_loop3A_573 = vector.broadcast %parallel_loop3A_572 : i32 to vector<16xi32>
      %parallel_loop3A_574 = arith.constant 0 : i32
      %parallel_loop3A_575 = arith.addi %parallel_loop3A_574, %parallel_loop3A_555 : i32
      %parallel_loop3A_576 = vector.broadcast %parallel_loop3A_575 : i32 to vector<16xi32>
      %parallel_loop3A_577 = arith.addi %parallel_loop3A_573, %parallel_loop3A_576 : vector<16xi32>
      %parallel_loop3A_578 = arith.constant 16 : i32
      %parallel_loop3A_579 = arith.muli %parallel_loop3A_555, %parallel_loop3A_578 : i32
      %parallel_loop3A_580 = arith.constant 0 : i32
      %parallel_loop3A_581 = arith.constant 0 : i32
      %parallel_loop3A_582 = arith.index_cast %parallel_loop3A_580 : i32 to index
      %parallel_loop3A_583 = arith.index_cast %parallel_loop3A_581 : i32 to index
      %parallel_loop3A_584 = arith.index_cast %parallel_loop3A_579 : i32 to index
      %parallel_loop3A_585 = tpu.vector_load %arg5[%parallel_loop3A_582, %parallel_loop3A_583, %parallel_loop3A_584] {strides = array<i32>} : memref<4x8x2048xf32, #tpu.memory_space<vmem>>, vector<16xf32>,
      %parallel_loop3A_586 = arith.cmpf olt, %parallel_loop3A_585, %parallel_loop3A_556 : vector<16xf32>
      %parallel_loop3A_587 = arith.select %parallel_loop3A_586, %parallel_loop3A_585, %parallel_loop3A_556 : vector<16xi1>, vector<16xf32>
      %parallel_loop3A_588 = arith.select %parallel_loop3A_586, %parallel_loop3A_577, %parallel_loop3A_564 : vector<16xi1>, vector<16xi32>
      %parallel_loop3A_589 = arith.constant 16 : i32
      %parallel_loop3A_590 = arith.muli %parallel_loop3A_555, %parallel_loop3A_589 : i32
      %parallel_loop3A_591 = arith.constant 0 : i32
      %parallel_loop3A_592 = arith.constant 1 : i32
      %parallel_loop3A_593 = arith.index_cast %parallel_loop3A_591 : i32 to index
      %parallel_loop3A_594 = arith.index_cast %parallel_loop3A_592 : i32 to index
      %parallel_loop3A_595 = arith.index_cast %parallel_loop3A_590 : i32 to index
      %parallel_loop3A_596 = tpu.vector_load %arg5[%parallel_loop3A_593, %parallel_loop3A_594, %parallel_loop3A_595] {strides = array<i32>} : memref<4x8x2048xf32, #tpu.memory_space<vmem>>, vector<16xf32>,
      %parallel_loop3A_597 = arith.cmpf olt, %parallel_loop3A_596, %parallel_loop3A_557 : vector<16xf32>
      %parallel_loop3A_598 = arith.select %parallel_loop3A_597, %parallel_loop3A_596, %parallel_loop3A_557 : vector<16xi1>, vector<16xf32>
      %parallel_loop3A_599 = arith.select %parallel_loop3A_597, %parallel_loop3A_577, %parallel_loop3A_565 : vector<16xi1>, vector<16xi32>
      %parallel_loop3A_600 = arith.constant 16 : i32
      %parallel_loop3A_601 = arith.muli %parallel_loop3A_555, %parallel_loop3A_600 : i32
      %parallel_loop3A_602 = arith.constant 0 : i32
      %parallel_loop3A_603 = arith.constant 2 : i32
      %parallel_loop3A_604 = arith.index_cast %parallel_loop3A_602 : i32 to index
      %parallel_loop3A_605 = arith.index_cast %parallel_loop3A_603 : i32 to index
      %parallel_loop3A_606 = arith.index_cast %parallel_loop3A_601 : i32 to index
      %parallel_loop3A_607 = tpu.vector_load %arg5[%parallel_loop3A_604, %parallel_loop3A_605, %parallel_loop3A_606] {strides = array<i32>} : memref<4x8x2048xf32, #tpu.memory_space<vmem>>, vector<16xf32>,
      %parallel_loop3A_608 = arith.cmpf olt, %parallel_loop3A_607, %parallel_loop3A_558 : vector<16xf32>
      %parallel_loop3A_609 = arith.select %parallel_loop3A_608, %parallel_loop3A_607, %parallel_loop3A_558 : vector<16xi1>, vector<16xf32>
      %parallel_loop3A_610 = arith.select %parallel_loop3A_608, %parallel_loop3A_577, %parallel_loop3A_566 : vector<16xi1>, vector<16xi32>
      %parallel_loop3A_611 = arith.constant 16 : i32
      %parallel_loop3A_612 = arith.muli %parallel_loop3A_555, %parallel_loop3A_611 : i32
      %parallel_loop3A_613 = arith.constant 0 : i32
      %parallel_loop3A_614 = arith.constant 3 : i32
      %parallel_loop3A_615 = arith.index_cast %parallel_loop3A_613 : i32 to index
      %parallel_loop3A_616 = arith.index_cast %parallel_loop3A_614 : i32 to index
      %parallel_loop3A_617 = arith.index_cast %parallel_loop3A_612 : i32 to index
      %parallel_loop3A_618 = tpu.vector_load %arg5[%parallel_loop3A_615, %parallel_loop3A_616, %parallel_loop3A_617] {strides = array<i32>} : memref<4x8x2048xf32, #tpu.memory_space<vmem>>, vector<16xf32>,
      %parallel_loop3A_619 = arith.cmpf olt, %parallel_loop3A_618, %parallel_loop3A_559 : vector<16xf32>
      %parallel_loop3A_620 = arith.select %parallel_loop3A_619, %parallel_loop3A_618, %parallel_loop3A_559 : vector<16xi1>, vector<16xf32>
      %parallel_loop3A_621 = arith.select %parallel_loop3A_619, %parallel_loop3A_577, %parallel_loop3A_567 : vector<16xi1>, vector<16xi32>
      %parallel_loop3A_622 = arith.constant 16 : i32
      %parallel_loop3A_623 = arith.muli %parallel_loop3A_555, %parallel_loop3A_622 : i32
      %parallel_loop3A_624 = arith.constant 0 : i32
      %parallel_loop3A_625 = arith.constant 4 : i32
      %parallel_loop3A_626 = arith.index_cast %parallel_loop3A_624 : i32 to index
      %parallel_loop3A_627 = arith.index_cast %parallel_loop3A_625 : i32 to index
      %parallel_loop3A_628 = arith.index_cast %parallel_loop3A_623 : i32 to index
      %parallel_loop3A_629 = tpu.vector_load %arg5[%parallel_loop3A_626, %parallel_loop3A_627, %parallel_loop3A_628] {strides = array<i32>} : memref<4x8x2048xf32, #tpu.memory_space<vmem>>, vector<16xf32>,
      %parallel_loop3A_630 = arith.cmpf olt, %parallel_loop3A_629, %parallel_loop3A_560 : vector<16xf32>
      %parallel_loop3A_631 = arith.select %parallel_loop3A_630, %parallel_loop3A_629, %parallel_loop3A_560 : vector<16xi1>, vector<16xf32>
      %parallel_loop3A_632 = arith.select %parallel_loop3A_630, %parallel_loop3A_577, %parallel_loop3A_568 : vector<16xi1>, vector<16xi32>
      %parallel_loop3A_633 = arith.constant 16 : i32
      %parallel_loop3A_634 = arith.muli %parallel_loop3A_555, %parallel_loop3A_633 : i32
      %parallel_loop3A_635 = arith.constant 0 : i32
      %parallel_loop3A_636 = arith.constant 5 : i32
      %parallel_loop3A_637 = arith.index_cast %parallel_loop3A_635 : i32 to index
      %parallel_loop3A_638 = arith.index_cast %parallel_loop3A_636 : i32 to index
      %parallel_loop3A_639 = arith.index_cast %parallel_loop3A_634 : i32 to index
      %parallel_loop3A_640 = tpu.vector_load %arg5[%parallel_loop3A_637, %parallel_loop3A_638, %parallel_loop3A_639] {strides = array<i32>} : memref<4x8x2048xf32, #tpu.memory_space<vmem>>, vector<16xf32>,
      %parallel_loop3A_641 = arith.cmpf olt, %parallel_loop3A_640, %parallel_loop3A_561 : vector<16xf32>
      %parallel_loop3A_642 = arith.select %parallel_loop3A_641, %parallel_loop3A_640, %parallel_loop3A_561 : vector<16xi1>, vector<16xf32>
      %parallel_loop3A_643 = arith.select %parallel_loop3A_641, %parallel_loop3A_577, %parallel_loop3A_569 : vector<16xi1>, vector<16xi32>
      %parallel_loop3A_644 = arith.constant 16 : i32
      %parallel_loop3A_645 = arith.muli %parallel_loop3A_555, %parallel_loop3A_644 : i32
      %parallel_loop3A_646 = arith.constant 0 : i32
      %parallel_loop3A_647 = arith.constant 6 : i32
      %parallel_loop3A_648 = arith.index_cast %parallel_loop3A_646 : i32 to index
      %parallel_loop3A_649 = arith.index_cast %parallel_loop3A_647 : i32 to index
      %parallel_loop3A_650 = arith.index_cast %parallel_loop3A_645 : i32 to index
      %parallel_loop3A_651 = tpu.vector_load %arg5[%parallel_loop3A_648, %parallel_loop3A_649, %parallel_loop3A_650] {strides = array<i32>} : memref<4x8x2048xf32, #tpu.memory_space<vmem>>, vector<16xf32>,
      %parallel_loop3A_652 = arith.cmpf olt, %parallel_loop3A_651, %parallel_loop3A_562 : vector<16xf32>
      %parallel_loop3A_653 = arith.select %parallel_loop3A_652, %parallel_loop3A_651, %parallel_loop3A_562 : vector<16xi1>, vector<16xf32>
      %parallel_loop3A_654 = arith.select %parallel_loop3A_652, %parallel_loop3A_577, %parallel_loop3A_570 : vector<16xi1>, vector<16xi32>
      %parallel_loop3A_655 = arith.constant 16 : i32
      %parallel_loop3A_656 = arith.muli %parallel_loop3A_555, %parallel_loop3A_655 : i32
      %parallel_loop3A_657 = arith.constant 0 : i32
      %parallel_loop3A_658 = arith.constant 7 : i32
      %parallel_loop3A_659 = arith.index_cast %parallel_loop3A_657 : i32 to index
      %parallel_loop3A_660 = arith.index_cast %parallel_loop3A_658 : i32 to index
      %parallel_loop3A_661 = arith.index_cast %parallel_loop3A_656 : i32 to index
      %parallel_loop3A_662 = tpu.vector_load %arg5[%parallel_loop3A_659, %parallel_loop3A_660, %parallel_loop3A_661] {strides = array<i32>} : memref<4x8x2048xf32, #tpu.memory_space<vmem>>, vector<16xf32>,
      %parallel_loop3A_663 = arith.cmpf olt, %parallel_loop3A_662, %parallel_loop3A_563 : vector<16xf32>
      %parallel_loop3A_664 = arith.select %parallel_loop3A_663, %parallel_loop3A_662, %parallel_loop3A_563 : vector<16xi1>, vector<16xf32>
      %parallel_loop3A_665 = arith.select %parallel_loop3A_663, %parallel_loop3A_577, %parallel_loop3A_571 : vector<16xi1>, vector<16xi32>
      scf.yield %parallel_loop3A_587, %parallel_loop3A_598, %parallel_loop3A_609, %parallel_loop3A_620, %parallel_loop3A_631, %parallel_loop3A_642, %parallel_loop3A_653, %parallel_loop3A_664, %parallel_loop3A_588, %parallel_loop3A_599, %parallel_loop3A_610, %parallel_loop3A_621, %parallel_loop3A_632, %parallel_loop3A_643, %parallel_loop3A_654, %parallel_loop3A_665 : vector<16xf32>, vector<16xf32>, vector<16xf32>, vector<16xf32>, vector<16xf32>, vector<16xf32>, vector<16xf32>, vector<16xf32>, vector<16xi32>, vector<16xi32>, vector<16xi32>, vector<16xi32>, vector<16xi32>, vector<16xi32>, vector<16xi32>, vector<16xi32>
    } {sc.loop_unroll_factor = 1 : i64, sc.parallel_access}
    %add3A_128 = arith.constant 8192 : i32
    %add3A_129 = arith.addi %mul3A_32, %add3A_128 : i32
    %dma_start3A_130 = arith.constant 0 : i32
    %dma_start3A_131 = arith.constant 0 : i32
    %dma_start3A_132 = arith.constant 0 : i32
    %dma_start3A_133 = tpu.memref_slice %arg5[%dma_start3A_130, %dma_start3A_131, %dma_start3A_132] : memref<4x8x2048xf32, #tpu.memory_space<vmem>> -> memref<1x8x2048xf32, #tpu.memory_space<vmem>>
    %dma_start3A_134 = tpu.memref_squeeze %dma_start3A_133 : memref<1x8x2048xf32, #tpu.memory_space<vmem>> -> memref<8x2048xf32, #tpu.memory_space<vmem>>
    %dma_start3A_135 = tpu.memref_slice %arg2[%mul3A_30, %add3A_129] : memref<128x32768xf32, #tpu.memory_space<hbm>> -> memref<8x2048xf32, #tpu.memory_space<hbm>>
    %dma_start3A_136 = arith.constant 0 : i32
    %dma_start3A_137 = arith.constant 0 : i32
    %dma_start3A_138 = tpu.memref_slice %arg5[%dma_start3A_130, %dma_start3A_136, %dma_start3A_137] : memref<4x8x2048xf32, #tpu.memory_space<vmem>> -> memref<1x8x2048xf32, #tpu.memory_space<vmem>>
    %dma_start3A_139 = tpu.memref_squeeze %dma_start3A_138 : memref<1x8x2048xf32, #tpu.memory_space<vmem>> -> memref<8x2048xf32, #tpu.memory_space<vmem>>
    %dma_start3A_140 = tpu.memref_slice %arg2[%mul3A_30, %add3A_129] : memref<128x32768xf32, #tpu.memory_space<hbm>> -> memref<8x2048xf32, #tpu.memory_space<hbm>>
    tpu.enqueue_dma source(%dma_start3A_140 : memref<8x2048xf32, #tpu.memory_space<hbm>>) target(%dma_start3A_139 : memref<8x2048xf32, #tpu.memory_space<vmem>>) target_semaphore(%arg8 : memref<!tpu.dma_semaphore, #tpu.memory_space<semaphore_mem>>)
    %dma_wait3A_141 = arith.constant 1 : i32
    %dma_wait3A_142 = arith.constant 0 : i32
    %dma_wait3A_143 = arith.constant 0 : i32
    %dma_wait3A_144 = tpu.memref_slice %arg5[%dma_wait3A_141, %dma_wait3A_142, %dma_wait3A_143] : memref<4x8x2048xf32, #tpu.memory_space<vmem>> -> memref<1x8x2048xf32, #tpu.memory_space<vmem>>
    %dma_wait3A_145 = tpu.memref_squeeze %dma_wait3A_144 : memref<1x8x2048xf32, #tpu.memory_space<vmem>> -> memref<8x2048xf32, #tpu.memory_space<vmem>>
    %dma_wait3A_146 = tpu.memref_slice %arg2[%mul3A_30, %add3A_46] : memref<128x32768xf32, #tpu.memory_space<hbm>> -> memref<8x2048xf32, #tpu.memory_space<hbm>>
    %dma_wait3A_147 = arith.constant 0 : i32
    %dma_wait3A_148 = arith.constant 0 : i32
    %dma_wait3A_149 = tpu.memref_slice %arg5[%dma_wait3A_141, %dma_wait3A_147, %dma_wait3A_148] : memref<4x8x2048xf32, #tpu.memory_space<vmem>> -> memref<1x8x2048xf32, #tpu.memory_space<vmem>>
    %dma_wait3A_150 = tpu.memref_squeeze %dma_wait3A_149 : memref<1x8x2048xf32, #tpu.memory_space<vmem>> -> memref<8x2048xf32, #tpu.memory_space<vmem>>
    %dma_wait3A_151 = tpu.memref_slice %arg2[%mul3A_30, %add3A_46] : memref<128x32768xf32, #tpu.memory_space<hbm>> -> memref<8x2048xf32, #tpu.memory_space<hbm>>
    tpu.wait_dma2 semaphore(%arg9 : memref<!tpu.dma_semaphore, #tpu.memory_space<semaphore_mem>>) src(%dma_wait3A_151 : memref<8x2048xf32, #tpu.memory_space<hbm>>) dst(%dma_wait3A_150 : memref<8x2048xf32, #tpu.memory_space<vmem>>)
    %parallel_loop3A_152 = arith.constant 0 : i32
    %parallel_loop3A_153 = arith.constant 128 : i32
    %parallel_loop3A_154 = arith.constant 1 : i32
    %parallel_loop3A_155:16 = scf.for %parallel_loop3A_555 = %parallel_loop3A_152 to %parallel_loop3A_153 step %parallel_loop3A_154 iter_args(%parallel_loop3A_556 = %parallel_loop3A_127#0, %parallel_loop3A_557 = %parallel_loop3A_127#1, %parallel_loop3A_558 = %parallel_loop3A_127#2, %parallel_loop3A_559 = %parallel_loop3A_127#3, %parallel_loop3A_560 = %parallel_loop3A_127#4, %parallel_loop3A_561 = %parallel_loop3A_127#5, %parallel_loop3A_562 = %parallel_loop3A_127#6, %parallel_loop3A_563 = %parallel_loop3A_127#7, %parallel_loop3A_564 = %parallel_loop3A_127#8, %parallel_loop3A_565 = %parallel_loop3A_127#9, %parallel_loop3A_566 = %parallel_loop3A_127#10, %parallel_loop3A_567 = %parallel_loop3A_127#11, %parallel_loop3A_568 = %parallel_loop3A_127#12, %parallel_loop3A_569 = %parallel_loop3A_127#13, %parallel_loop3A_570 = %parallel_loop3A_127#14, %parallel_loop3A_571 = %parallel_loop3A_127#15) -> (vector<16xf32>, vector<16xf32>, vector<16xf32>, vector<16xf32>, vector<16xf32>, vector<16xf32>, vector<16xf32>, vector<16xf32>, vector<16xi32>, vector<16xi32>, vector<16xi32>, vector<16xi32>, vector<16xi32>, vector<16xi32>, vector<16xi32>, vector<16xi32>)  : i32 {
      %parallel_loop3A_572 = arith.constant 0 : i32
      %parallel_loop3A_573 = vector.broadcast %parallel_loop3A_572 : i32 to vector<16xi32>
      %parallel_loop3A_574 = arith.constant 128 : i32
      %parallel_loop3A_575 = arith.addi %parallel_loop3A_574, %parallel_loop3A_555 : i32
      %parallel_loop3A_576 = vector.broadcast %parallel_loop3A_575 : i32 to vector<16xi32>
      %parallel_loop3A_577 = arith.addi %parallel_loop3A_573, %parallel_loop3A_576 : vector<16xi32>
      %parallel_loop3A_578 = arith.constant 16 : i32
      %parallel_loop3A_579 = arith.muli %parallel_loop3A_555, %parallel_loop3A_578 : i32
      %parallel_loop3A_580 = arith.constant 1 : i32
      %parallel_loop3A_581 = arith.constant 0 : i32
      %parallel_loop3A_582 = arith.index_cast %parallel_loop3A_580 : i32 to index
      %parallel_loop3A_583 = arith.index_cast %parallel_loop3A_581 : i32 to index
      %parallel_loop3A_584 = arith.index_cast %parallel_loop3A_579 : i32 to index
      %parallel_loop3A_585 = tpu.vector_load %arg5[%parallel_loop3A_582, %parallel_loop3A_583, %parallel_loop3A_584] {strides = array<i32>} : memref<4x8x2048xf32, #tpu.memory_space<vmem>>, vector<16xf32>,
      %parallel_loop3A_586 = arith.cmpf olt, %parallel_loop3A_585, %parallel_loop3A_556 : vector<16xf32>
      %parallel_loop3A_587 = arith.select %parallel_loop3A_586, %parallel_loop3A_585, %parallel_loop3A_556 : vector<16xi1>, vector<16xf32>
      %parallel_loop3A_588 = arith.select %parallel_loop3A_586, %parallel_loop3A_577, %parallel_loop3A_564 : vector<16xi1>, vector<16xi32>
      %parallel_loop3A_589 = arith.constant 16 : i32
      %parallel_loop3A_590 = arith.muli %parallel_loop3A_555, %parallel_loop3A_589 : i32
      %parallel_loop3A_591 = arith.constant 1 : i32
      %parallel_loop3A_592 = arith.constant 1 : i32
      %parallel_loop3A_593 = arith.index_cast %parallel_loop3A_591 : i32 to index
      %parallel_loop3A_594 = arith.index_cast %parallel_loop3A_592 : i32 to index
      %parallel_loop3A_595 = arith.index_cast %parallel_loop3A_590 : i32 to index
      %parallel_loop3A_596 = tpu.vector_load %arg5[%parallel_loop3A_593, %parallel_loop3A_594, %parallel_loop3A_595] {strides = array<i32>} : memref<4x8x2048xf32, #tpu.memory_space<vmem>>, vector<16xf32>,
      %parallel_loop3A_597 = arith.cmpf olt, %parallel_loop3A_596, %parallel_loop3A_557 : vector<16xf32>
      %parallel_loop3A_598 = arith.select %parallel_loop3A_597, %parallel_loop3A_596, %parallel_loop3A_557 : vector<16xi1>, vector<16xf32>
      %parallel_loop3A_599 = arith.select %parallel_loop3A_597, %parallel_loop3A_577, %parallel_loop3A_565 : vector<16xi1>, vector<16xi32>
      %parallel_loop3A_600 = arith.constant 16 : i32
      %parallel_loop3A_601 = arith.muli %parallel_loop3A_555, %parallel_loop3A_600 : i32
      %parallel_loop3A_602 = arith.constant 1 : i32
      %parallel_loop3A_603 = arith.constant 2 : i32
      %parallel_loop3A_604 = arith.index_cast %parallel_loop3A_602 : i32 to index
      %parallel_loop3A_605 = arith.index_cast %parallel_loop3A_603 : i32 to index
      %parallel_loop3A_606 = arith.index_cast %parallel_loop3A_601 : i32 to index
      %parallel_loop3A_607 = tpu.vector_load %arg5[%parallel_loop3A_604, %parallel_loop3A_605, %parallel_loop3A_606] {strides = array<i32>} : memref<4x8x2048xf32, #tpu.memory_space<vmem>>, vector<16xf32>,
      %parallel_loop3A_608 = arith.cmpf olt, %parallel_loop3A_607, %parallel_loop3A_558 : vector<16xf32>
      %parallel_loop3A_609 = arith.select %parallel_loop3A_608, %parallel_loop3A_607, %parallel_loop3A_558 : vector<16xi1>, vector<16xf32>
      %parallel_loop3A_610 = arith.select %parallel_loop3A_608, %parallel_loop3A_577, %parallel_loop3A_566 : vector<16xi1>, vector<16xi32>
      %parallel_loop3A_611 = arith.constant 16 : i32
      %parallel_loop3A_612 = arith.muli %parallel_loop3A_555, %parallel_loop3A_611 : i32
      %parallel_loop3A_613 = arith.constant 1 : i32
      %parallel_loop3A_614 = arith.constant 3 : i32
      %parallel_loop3A_615 = arith.index_cast %parallel_loop3A_613 : i32 to index
      %parallel_loop3A_616 = arith.index_cast %parallel_loop3A_614 : i32 to index
      %parallel_loop3A_617 = arith.index_cast %parallel_loop3A_612 : i32 to index
      %parallel_loop3A_618 = tpu.vector_load %arg5[%parallel_loop3A_615, %parallel_loop3A_616, %parallel_loop3A_617] {strides = array<i32>} : memref<4x8x2048xf32, #tpu.memory_space<vmem>>, vector<16xf32>,
      %parallel_loop3A_619 = arith.cmpf olt, %parallel_loop3A_618, %parallel_loop3A_559 : vector<16xf32>
      %parallel_loop3A_620 = arith.select %parallel_loop3A_619, %parallel_loop3A_618, %parallel_loop3A_559 : vector<16xi1>, vector<16xf32>
      %parallel_loop3A_621 = arith.select %parallel_loop3A_619, %parallel_loop3A_577, %parallel_loop3A_567 : vector<16xi1>, vector<16xi32>
      %parallel_loop3A_622 = arith.constant 16 : i32
      %parallel_loop3A_623 = arith.muli %parallel_loop3A_555, %parallel_loop3A_622 : i32
      %parallel_loop3A_624 = arith.constant 1 : i32
      %parallel_loop3A_625 = arith.constant 4 : i32
      %parallel_loop3A_626 = arith.index_cast %parallel_loop3A_624 : i32 to index
      %parallel_loop3A_627 = arith.index_cast %parallel_loop3A_625 : i32 to index
      %parallel_loop3A_628 = arith.index_cast %parallel_loop3A_623 : i32 to index
      %parallel_loop3A_629 = tpu.vector_load %arg5[%parallel_loop3A_626, %parallel_loop3A_627, %parallel_loop3A_628] {strides = array<i32>} : memref<4x8x2048xf32, #tpu.memory_space<vmem>>, vector<16xf32>,
      %parallel_loop3A_630 = arith.cmpf olt, %parallel_loop3A_629, %parallel_loop3A_560 : vector<16xf32>
      %parallel_loop3A_631 = arith.select %parallel_loop3A_630, %parallel_loop3A_629, %parallel_loop3A_560 : vector<16xi1>, vector<16xf32>
      %parallel_loop3A_632 = arith.select %parallel_loop3A_630, %parallel_loop3A_577, %parallel_loop3A_568 : vector<16xi1>, vector<16xi32>
      %parallel_loop3A_633 = arith.constant 16 : i32
      %parallel_loop3A_634 = arith.muli %parallel_loop3A_555, %parallel_loop3A_633 : i32
      %parallel_loop3A_635 = arith.constant 1 : i32
      %parallel_loop3A_636 = arith.constant 5 : i32
      %parallel_loop3A_637 = arith.index_cast %parallel_loop3A_635 : i32 to index
      %parallel_loop3A_638 = arith.index_cast %parallel_loop3A_636 : i32 to index
      %parallel_loop3A_639 = arith.index_cast %parallel_loop3A_634 : i32 to index
      %parallel_loop3A_640 = tpu.vector_load %arg5[%parallel_loop3A_637, %parallel_loop3A_638, %parallel_loop3A_639] {strides = array<i32>} : memref<4x8x2048xf32, #tpu.memory_space<vmem>>, vector<16xf32>,
      %parallel_loop3A_641 = arith.cmpf olt, %parallel_loop3A_640, %parallel_loop3A_561 : vector<16xf32>
      %parallel_loop3A_642 = arith.select %parallel_loop3A_641, %parallel_loop3A_640, %parallel_loop3A_561 : vector<16xi1>, vector<16xf32>
      %parallel_loop3A_643 = arith.select %parallel_loop3A_641, %parallel_loop3A_577, %parallel_loop3A_569 : vector<16xi1>, vector<16xi32>
      %parallel_loop3A_644 = arith.constant 16 : i32
      %parallel_loop3A_645 = arith.muli %parallel_loop3A_555, %parallel_loop3A_644 : i32
      %parallel_loop3A_646 = arith.constant 1 : i32
      %parallel_loop3A_647 = arith.constant 6 : i32
      %parallel_loop3A_648 = arith.index_cast %parallel_loop3A_646 : i32 to index
      %parallel_loop3A_649 = arith.index_cast %parallel_loop3A_647 : i32 to index
      %parallel_loop3A_650 = arith.index_cast %parallel_loop3A_645 : i32 to index
      %parallel_loop3A_651 = tpu.vector_load %arg5[%parallel_loop3A_648, %parallel_loop3A_649, %parallel_loop3A_650] {strides = array<i32>} : memref<4x8x2048xf32, #tpu.memory_space<vmem>>, vector<16xf32>,
      %parallel_loop3A_652 = arith.cmpf olt, %parallel_loop3A_651, %parallel_loop3A_562 : vector<16xf32>
      %parallel_loop3A_653 = arith.select %parallel_loop3A_652, %parallel_loop3A_651, %parallel_loop3A_562 : vector<16xi1>, vector<16xf32>
      %parallel_loop3A_654 = arith.select %parallel_loop3A_652, %parallel_loop3A_577, %parallel_loop3A_570 : vector<16xi1>, vector<16xi32>
      %parallel_loop3A_655 = arith.constant 16 : i32
      %parallel_loop3A_656 = arith.muli %parallel_loop3A_555, %parallel_loop3A_655 : i32
      %parallel_loop3A_657 = arith.constant 1 : i32
      %parallel_loop3A_658 = arith.constant 7 : i32
      %parallel_loop3A_659 = arith.index_cast %parallel_loop3A_657 : i32 to index
      %parallel_loop3A_660 = arith.index_cast %parallel_loop3A_658 : i32 to index
      %parallel_loop3A_661 = arith.index_cast %parallel_loop3A_656 : i32 to index
      %parallel_loop3A_662 = tpu.vector_load %arg5[%parallel_loop3A_659, %parallel_loop3A_660, %parallel_loop3A_661] {strides = array<i32>} : memref<4x8x2048xf32, #tpu.memory_space<vmem>>, vector<16xf32>,
      %parallel_loop3A_663 = arith.cmpf olt, %parallel_loop3A_662, %parallel_loop3A_563 : vector<16xf32>
      %parallel_loop3A_664 = arith.select %parallel_loop3A_663, %parallel_loop3A_662, %parallel_loop3A_563 : vector<16xi1>, vector<16xf32>
      %parallel_loop3A_665 = arith.select %parallel_loop3A_663, %parallel_loop3A_577, %parallel_loop3A_571 : vector<16xi1>, vector<16xi32>
      scf.yield %parallel_loop3A_587, %parallel_loop3A_598, %parallel_loop3A_609, %parallel_loop3A_620, %parallel_loop3A_631, %parallel_loop3A_642, %parallel_loop3A_653, %parallel_loop3A_664, %parallel_loop3A_588, %parallel_loop3A_599, %parallel_loop3A_610, %parallel_loop3A_621, %parallel_loop3A_632, %parallel_loop3A_643, %parallel_loop3A_654, %parallel_loop3A_665 : vector<16xf32>, vector<16xf32>, vector<16xf32>, vector<16xf32>, vector<16xf32>, vector<16xf32>, vector<16xf32>, vector<16xf32>, vector<16xi32>, vector<16xi32>, vector<16xi32>, vector<16xi32>, vector<16xi32>, vector<16xi32>, vector<16xi32>, vector<16xi32>
    } {sc.loop_unroll_factor = 1 : i64, sc.parallel_access}
    %add3A_156 = arith.constant 10240 : i32
    %add3A_157 = arith.addi %mul3A_32, %add3A_156 : i32
    %dma_start3A_158 = arith.constant 1 : i32
    %dma_start3A_159 = arith.constant 0 : i32
    %dma_start3A_160 = arith.constant 0 : i32
    %dma_start3A_161 = tpu.memref_slice %arg5[%dma_start3A_158, %dma_start3A_159, %dma_start3A_160] : memref<4x8x2048xf32, #tpu.memory_space<vmem>> -> memref<1x8x2048xf32, #tpu.memory_space<vmem>>
    %dma_start3A_162 = tpu.memref_squeeze %dma_start3A_161 : memref<1x8x2048xf32, #tpu.memory_space<vmem>> -> memref<8x2048xf32, #tpu.memory_space<vmem>>
    %dma_start3A_163 = tpu.memref_slice %arg2[%mul3A_30, %add3A_157] : memref<128x32768xf32, #tpu.memory_space<hbm>> -> memref<8x2048xf32, #tpu.memory_space<hbm>>
    %dma_start3A_164 = arith.constant 0 : i32
    %dma_start3A_165 = arith.constant 0 : i32
    %dma_start3A_166 = tpu.memref_slice %arg5[%dma_start3A_158, %dma_start3A_164, %dma_start3A_165] : memref<4x8x2048xf32, #tpu.memory_space<vmem>> -> memref<1x8x2048xf32, #tpu.memory_space<vmem>>
    %dma_start3A_167 = tpu.memref_squeeze %dma_start3A_166 : memref<1x8x2048xf32, #tpu.memory_space<vmem>> -> memref<8x2048xf32, #tpu.memory_space<vmem>>
    %dma_start3A_168 = tpu.memref_slice %arg2[%mul3A_30, %add3A_157] : memref<128x32768xf32, #tpu.memory_space<hbm>> -> memref<8x2048xf32, #tpu.memory_space<hbm>>
    tpu.enqueue_dma source(%dma_start3A_168 : memref<8x2048xf32, #tpu.memory_space<hbm>>) target(%dma_start3A_167 : memref<8x2048xf32, #tpu.memory_space<vmem>>) target_semaphore(%arg9 : memref<!tpu.dma_semaphore, #tpu.memory_space<semaphore_mem>>)
    %dma_wait3A_169 = arith.constant 2 : i32
    %dma_wait3A_170 = arith.constant 0 : i32
    %dma_wait3A_171 = arith.constant 0 : i32
    %dma_wait3A_172 = tpu.memref_slice %arg5[%dma_wait3A_169, %dma_wait3A_170, %dma_wait3A_171] : memref<4x8x2048xf32, #tpu.memory_space<vmem>> -> memref<1x8x2048xf32, #tpu.memory_space<vmem>>
    %dma_wait3A_173 = tpu.memref_squeeze %dma_wait3A_172 : memref<1x8x2048xf32, #tpu.memory_space<vmem>> -> memref<8x2048xf32, #tpu.memory_space<vmem>>
    %dma_wait3A_174 = tpu.memref_slice %arg2[%mul3A_30, %add3A_59] : memref<128x32768xf32, #tpu.memory_space<hbm>> -> memref<8x2048xf32, #tpu.memory_space<hbm>>
    %dma_wait3A_175 = arith.constant 0 : i32
    %dma_wait3A_176 = arith.constant 0 : i32
    %dma_wait3A_177 = tpu.memref_slice %arg5[%dma_wait3A_169, %dma_wait3A_175, %dma_wait3A_176] : memref<4x8x2048xf32, #tpu.memory_space<vmem>> -> memref<1x8x2048xf32, #tpu.memory_space<vmem>>
    %dma_wait3A_178 = tpu.memref_squeeze %dma_wait3A_177 : memref<1x8x2048xf32, #tpu.memory_space<vmem>> -> memref<8x2048xf32, #tpu.memory_space<vmem>>
    %dma_wait3A_179 = tpu.memref_slice %arg2[%mul3A_30, %add3A_59] : memref<128x32768xf32, #tpu.memory_space<hbm>> -> memref<8x2048xf32, #tpu.memory_space<hbm>>
    tpu.wait_dma2 semaphore(%arg10 : memref<!tpu.dma_semaphore, #tpu.memory_space<semaphore_mem>>) src(%dma_wait3A_179 : memref<8x2048xf32, #tpu.memory_space<hbm>>) dst(%dma_wait3A_178 : memref<8x2048xf32, #tpu.memory_space<vmem>>)
    %parallel_loop3A_180 = arith.constant 0 : i32
    %parallel_loop3A_181 = arith.constant 128 : i32
    %parallel_loop3A_182 = arith.constant 1 : i32
    %parallel_loop3A_183:16 = scf.for %parallel_loop3A_555 = %parallel_loop3A_180 to %parallel_loop3A_181 step %parallel_loop3A_182 iter_args(%parallel_loop3A_556 = %parallel_loop3A_155#0, %parallel_loop3A_557 = %parallel_loop3A_155#1, %parallel_loop3A_558 = %parallel_loop3A_155#2, %parallel_loop3A_559 = %parallel_loop3A_155#3, %parallel_loop3A_560 = %parallel_loop3A_155#4, %parallel_loop3A_561 = %parallel_loop3A_155#5, %parallel_loop3A_562 = %parallel_loop3A_155#6, %parallel_loop3A_563 = %parallel_loop3A_155#7, %parallel_loop3A_564 = %parallel_loop3A_155#8, %parallel_loop3A_565 = %parallel_loop3A_155#9, %parallel_loop3A_566 = %parallel_loop3A_155#10, %parallel_loop3A_567 = %parallel_loop3A_155#11, %parallel_loop3A_568 = %parallel_loop3A_155#12, %parallel_loop3A_569 = %parallel_loop3A_155#13, %parallel_loop3A_570 = %parallel_loop3A_155#14, %parallel_loop3A_571 = %parallel_loop3A_155#15) -> (vector<16xf32>, vector<16xf32>, vector<16xf32>, vector<16xf32>, vector<16xf32>, vector<16xf32>, vector<16xf32>, vector<16xf32>, vector<16xi32>, vector<16xi32>, vector<16xi32>, vector<16xi32>, vector<16xi32>, vector<16xi32>, vector<16xi32>, vector<16xi32>)  : i32 {
      %parallel_loop3A_572 = arith.constant 0 : i32
      %parallel_loop3A_573 = vector.broadcast %parallel_loop3A_572 : i32 to vector<16xi32>
      %parallel_loop3A_574 = arith.constant 256 : i32
      %parallel_loop3A_575 = arith.addi %parallel_loop3A_574, %parallel_loop3A_555 : i32
      %parallel_loop3A_576 = vector.broadcast %parallel_loop3A_575 : i32 to vector<16xi32>
      %parallel_loop3A_577 = arith.addi %parallel_loop3A_573, %parallel_loop3A_576 : vector<16xi32>
      %parallel_loop3A_578 = arith.constant 16 : i32
      %parallel_loop3A_579 = arith.muli %parallel_loop3A_555, %parallel_loop3A_578 : i32
      %parallel_loop3A_580 = arith.constant 2 : i32
      %parallel_loop3A_581 = arith.constant 0 : i32
      %parallel_loop3A_582 = arith.index_cast %parallel_loop3A_580 : i32 to index
      %parallel_loop3A_583 = arith.index_cast %parallel_loop3A_581 : i32 to index
      %parallel_loop3A_584 = arith.index_cast %parallel_loop3A_579 : i32 to index
      %parallel_loop3A_585 = tpu.vector_load %arg5[%parallel_loop3A_582, %parallel_loop3A_583, %parallel_loop3A_584] {strides = array<i32>} : memref<4x8x2048xf32, #tpu.memory_space<vmem>>, vector<16xf32>,
      %parallel_loop3A_586 = arith.cmpf olt, %parallel_loop3A_585, %parallel_loop3A_556 : vector<16xf32>
      %parallel_loop3A_587 = arith.select %parallel_loop3A_586, %parallel_loop3A_585, %parallel_loop3A_556 : vector<16xi1>, vector<16xf32>
      %parallel_loop3A_588 = arith.select %parallel_loop3A_586, %parallel_loop3A_577, %parallel_loop3A_564 : vector<16xi1>, vector<16xi32>
      %parallel_loop3A_589 = arith.constant 16 : i32
      %parallel_loop3A_590 = arith.muli %parallel_loop3A_555, %parallel_loop3A_589 : i32
      %parallel_loop3A_591 = arith.constant 2 : i32
      %parallel_loop3A_592 = arith.constant 1 : i32
      %parallel_loop3A_593 = arith.index_cast %parallel_loop3A_591 : i32 to index
      %parallel_loop3A_594 = arith.index_cast %parallel_loop3A_592 : i32 to index
      %parallel_loop3A_595 = arith.index_cast %parallel_loop3A_590 : i32 to index
      %parallel_loop3A_596 = tpu.vector_load %arg5[%parallel_loop3A_593, %parallel_loop3A_594, %parallel_loop3A_595] {strides = array<i32>} : memref<4x8x2048xf32, #tpu.memory_space<vmem>>, vector<16xf32>,
      %parallel_loop3A_597 = arith.cmpf olt, %parallel_loop3A_596, %parallel_loop3A_557 : vector<16xf32>
      %parallel_loop3A_598 = arith.select %parallel_loop3A_597, %parallel_loop3A_596, %parallel_loop3A_557 : vector<16xi1>, vector<16xf32>
      %parallel_loop3A_599 = arith.select %parallel_loop3A_597, %parallel_loop3A_577, %parallel_loop3A_565 : vector<16xi1>, vector<16xi32>
      %parallel_loop3A_600 = arith.constant 16 : i32
      %parallel_loop3A_601 = arith.muli %parallel_loop3A_555, %parallel_loop3A_600 : i32
      %parallel_loop3A_602 = arith.constant 2 : i32
      %parallel_loop3A_603 = arith.constant 2 : i32
      %parallel_loop3A_604 = arith.index_cast %parallel_loop3A_602 : i32 to index
      %parallel_loop3A_605 = arith.index_cast %parallel_loop3A_603 : i32 to index
      %parallel_loop3A_606 = arith.index_cast %parallel_loop3A_601 : i32 to index
      %parallel_loop3A_607 = tpu.vector_load %arg5[%parallel_loop3A_604, %parallel_loop3A_605, %parallel_loop3A_606] {strides = array<i32>} : memref<4x8x2048xf32, #tpu.memory_space<vmem>>, vector<16xf32>,
      %parallel_loop3A_608 = arith.cmpf olt, %parallel_loop3A_607, %parallel_loop3A_558 : vector<16xf32>
      %parallel_loop3A_609 = arith.select %parallel_loop3A_608, %parallel_loop3A_607, %parallel_loop3A_558 : vector<16xi1>, vector<16xf32>
      %parallel_loop3A_610 = arith.select %parallel_loop3A_608, %parallel_loop3A_577, %parallel_loop3A_566 : vector<16xi1>, vector<16xi32>
      %parallel_loop3A_611 = arith.constant 16 : i32
      %parallel_loop3A_612 = arith.muli %parallel_loop3A_555, %parallel_loop3A_611 : i32
      %parallel_loop3A_613 = arith.constant 2 : i32
      %parallel_loop3A_614 = arith.constant 3 : i32
      %parallel_loop3A_615 = arith.index_cast %parallel_loop3A_613 : i32 to index
      %parallel_loop3A_616 = arith.index_cast %parallel_loop3A_614 : i32 to index
      %parallel_loop3A_617 = arith.index_cast %parallel_loop3A_612 : i32 to index
      %parallel_loop3A_618 = tpu.vector_load %arg5[%parallel_loop3A_615, %parallel_loop3A_616, %parallel_loop3A_617] {strides = array<i32>} : memref<4x8x2048xf32, #tpu.memory_space<vmem>>, vector<16xf32>,
      %parallel_loop3A_619 = arith.cmpf olt, %parallel_loop3A_618, %parallel_loop3A_559 : vector<16xf32>
      %parallel_loop3A_620 = arith.select %parallel_loop3A_619, %parallel_loop3A_618, %parallel_loop3A_559 : vector<16xi1>, vector<16xf32>
      %parallel_loop3A_621 = arith.select %parallel_loop3A_619, %parallel_loop3A_577, %parallel_loop3A_567 : vector<16xi1>, vector<16xi32>
      %parallel_loop3A_622 = arith.constant 16 : i32
      %parallel_loop3A_623 = arith.muli %parallel_loop3A_555, %parallel_loop3A_622 : i32
      %parallel_loop3A_624 = arith.constant 2 : i32
      %parallel_loop3A_625 = arith.constant 4 : i32
      %parallel_loop3A_626 = arith.index_cast %parallel_loop3A_624 : i32 to index
      %parallel_loop3A_627 = arith.index_cast %parallel_loop3A_625 : i32 to index
      %parallel_loop3A_628 = arith.index_cast %parallel_loop3A_623 : i32 to index
      %parallel_loop3A_629 = tpu.vector_load %arg5[%parallel_loop3A_626, %parallel_loop3A_627, %parallel_loop3A_628] {strides = array<i32>} : memref<4x8x2048xf32, #tpu.memory_space<vmem>>, vector<16xf32>,
      %parallel_loop3A_630 = arith.cmpf olt, %parallel_loop3A_629, %parallel_loop3A_560 : vector<16xf32>
      %parallel_loop3A_631 = arith.select %parallel_loop3A_630, %parallel_loop3A_629, %parallel_loop3A_560 : vector<16xi1>, vector<16xf32>
      %parallel_loop3A_632 = arith.select %parallel_loop3A_630, %parallel_loop3A_577, %parallel_loop3A_568 : vector<16xi1>, vector<16xi32>
      %parallel_loop3A_633 = arith.constant 16 : i32
      %parallel_loop3A_634 = arith.muli %parallel_loop3A_555, %parallel_loop3A_633 : i32
      %parallel_loop3A_635 = arith.constant 2 : i32
      %parallel_loop3A_636 = arith.constant 5 : i32
      %parallel_loop3A_637 = arith.index_cast %parallel_loop3A_635 : i32 to index
      %parallel_loop3A_638 = arith.index_cast %parallel_loop3A_636 : i32 to index
      %parallel_loop3A_639 = arith.index_cast %parallel_loop3A_634 : i32 to index
      %parallel_loop3A_640 = tpu.vector_load %arg5[%parallel_loop3A_637, %parallel_loop3A_638, %parallel_loop3A_639] {strides = array<i32>} : memref<4x8x2048xf32, #tpu.memory_space<vmem>>, vector<16xf32>,
      %parallel_loop3A_641 = arith.cmpf olt, %parallel_loop3A_640, %parallel_loop3A_561 : vector<16xf32>
      %parallel_loop3A_642 = arith.select %parallel_loop3A_641, %parallel_loop3A_640, %parallel_loop3A_561 : vector<16xi1>, vector<16xf32>
      %parallel_loop3A_643 = arith.select %parallel_loop3A_641, %parallel_loop3A_577, %parallel_loop3A_569 : vector<16xi1>, vector<16xi32>
      %parallel_loop3A_644 = arith.constant 16 : i32
      %parallel_loop3A_645 = arith.muli %parallel_loop3A_555, %parallel_loop3A_644 : i32
      %parallel_loop3A_646 = arith.constant 2 : i32
      %parallel_loop3A_647 = arith.constant 6 : i32
      %parallel_loop3A_648 = arith.index_cast %parallel_loop3A_646 : i32 to index
      %parallel_loop3A_649 = arith.index_cast %parallel_loop3A_647 : i32 to index
      %parallel_loop3A_650 = arith.index_cast %parallel_loop3A_645 : i32 to index
      %parallel_loop3A_651 = tpu.vector_load %arg5[%parallel_loop3A_648, %parallel_loop3A_649, %parallel_loop3A_650] {strides = array<i32>} : memref<4x8x2048xf32, #tpu.memory_space<vmem>>, vector<16xf32>,
      %parallel_loop3A_652 = arith.cmpf olt, %parallel_loop3A_651, %parallel_loop3A_562 : vector<16xf32>
      %parallel_loop3A_653 = arith.select %parallel_loop3A_652, %parallel_loop3A_651, %parallel_loop3A_562 : vector<16xi1>, vector<16xf32>
      %parallel_loop3A_654 = arith.select %parallel_loop3A_652, %parallel_loop3A_577, %parallel_loop3A_570 : vector<16xi1>, vector<16xi32>
      %parallel_loop3A_655 = arith.constant 16 : i32
      %parallel_loop3A_656 = arith.muli %parallel_loop3A_555, %parallel_loop3A_655 : i32
      %parallel_loop3A_657 = arith.constant 2 : i32
      %parallel_loop3A_658 = arith.constant 7 : i32
      %parallel_loop3A_659 = arith.index_cast %parallel_loop3A_657 : i32 to index
      %parallel_loop3A_660 = arith.index_cast %parallel_loop3A_658 : i32 to index
      %parallel_loop3A_661 = arith.index_cast %parallel_loop3A_656 : i32 to index
      %parallel_loop3A_662 = tpu.vector_load %arg5[%parallel_loop3A_659, %parallel_loop3A_660, %parallel_loop3A_661] {strides = array<i32>} : memref<4x8x2048xf32, #tpu.memory_space<vmem>>, vector<16xf32>,
      %parallel_loop3A_663 = arith.cmpf olt, %parallel_loop3A_662, %parallel_loop3A_563 : vector<16xf32>
      %parallel_loop3A_664 = arith.select %parallel_loop3A_663, %parallel_loop3A_662, %parallel_loop3A_563 : vector<16xi1>, vector<16xf32>
      %parallel_loop3A_665 = arith.select %parallel_loop3A_663, %parallel_loop3A_577, %parallel_loop3A_571 : vector<16xi1>, vector<16xi32>
      scf.yield %parallel_loop3A_587, %parallel_loop3A_598, %parallel_loop3A_609, %parallel_loop3A_620, %parallel_loop3A_631, %parallel_loop3A_642, %parallel_loop3A_653, %parallel_loop3A_664, %parallel_loop3A_588, %parallel_loop3A_599, %parallel_loop3A_610, %parallel_loop3A_621, %parallel_loop3A_632, %parallel_loop3A_643, %parallel_loop3A_654, %parallel_loop3A_665 : vector<16xf32>, vector<16xf32>, vector<16xf32>, vector<16xf32>, vector<16xf32>, vector<16xf32>, vector<16xf32>, vector<16xf32>, vector<16xi32>, vector<16xi32>, vector<16xi32>, vector<16xi32>, vector<16xi32>, vector<16xi32>, vector<16xi32>, vector<16xi32>
    } {sc.loop_unroll_factor = 1 : i64, sc.parallel_access}
    %add3A_184 = arith.constant 12288 : i32
    %add3A_185 = arith.addi %mul3A_32, %add3A_184 : i32
    %dma_start3A_186 = arith.constant 2 : i32
    %dma_start3A_187 = arith.constant 0 : i32
    %dma_start3A_188 = arith.constant 0 : i32
    %dma_start3A_189 = tpu.memref_slice %arg5[%dma_start3A_186, %dma_start3A_187, %dma_start3A_188] : memref<4x8x2048xf32, #tpu.memory_space<vmem>> -> memref<1x8x2048xf32, #tpu.memory_space<vmem>>
    %dma_start3A_190 = tpu.memref_squeeze %dma_start3A_189 : memref<1x8x2048xf32, #tpu.memory_space<vmem>> -> memref<8x2048xf32, #tpu.memory_space<vmem>>
    %dma_start3A_191 = tpu.memref_slice %arg2[%mul3A_30, %add3A_185] : memref<128x32768xf32, #tpu.memory_space<hbm>> -> memref<8x2048xf32, #tpu.memory_space<hbm>>
    %dma_start3A_192 = arith.constant 0 : i32
    %dma_start3A_193 = arith.constant 0 : i32
    %dma_start3A_194 = tpu.memref_slice %arg5[%dma_start3A_186, %dma_start3A_192, %dma_start3A_193] : memref<4x8x2048xf32, #tpu.memory_space<vmem>> -> memref<1x8x2048xf32, #tpu.memory_space<vmem>>
    %dma_start3A_195 = tpu.memref_squeeze %dma_start3A_194 : memref<1x8x2048xf32, #tpu.memory_space<vmem>> -> memref<8x2048xf32, #tpu.memory_space<vmem>>
    %dma_start3A_196 = tpu.memref_slice %arg2[%mul3A_30, %add3A_185] : memref<128x32768xf32, #tpu.memory_space<hbm>> -> memref<8x2048xf32, #tpu.memory_space<hbm>>
    tpu.enqueue_dma source(%dma_start3A_196 : memref<8x2048xf32, #tpu.memory_space<hbm>>) target(%dma_start3A_195 : memref<8x2048xf32, #tpu.memory_space<vmem>>) target_semaphore(%arg10 : memref<!tpu.dma_semaphore, #tpu.memory_space<semaphore_mem>>)
    %dma_wait3A_197 = arith.constant 3 : i32
    %dma_wait3A_198 = arith.constant 0 : i32
    %dma_wait3A_199 = arith.constant 0 : i32
    %dma_wait3A_200 = tpu.memref_slice %arg5[%dma_wait3A_197, %dma_wait3A_198, %dma_wait3A_199] : memref<4x8x2048xf32, #tpu.memory_space<vmem>> -> memref<1x8x2048xf32, #tpu.memory_space<vmem>>
    %dma_wait3A_201 = tpu.memref_squeeze %dma_wait3A_200 : memref<1x8x2048xf32, #tpu.memory_space<vmem>> -> memref<8x2048xf32, #tpu.memory_space<vmem>>
    %dma_wait3A_202 = tpu.memref_slice %arg2[%mul3A_30, %add3A_103] : memref<128x32768xf32, #tpu.memory_space<hbm>> -> memref<8x2048xf32, #tpu.memory_space<hbm>>
    %dma_wait3A_203 = arith.constant 0 : i32
    %dma_wait3A_204 = arith.constant 0 : i32
    %dma_wait3A_205 = tpu.memref_slice %arg5[%dma_wait3A_197, %dma_wait3A_203, %dma_wait3A_204] : memref<4x8x2048xf32, #tpu.memory_space<vmem>> -> memref<1x8x2048xf32, #tpu.memory_space<vmem>>
    %dma_wait3A_206 = tpu.memref_squeeze %dma_wait3A_205 : memref<1x8x2048xf32, #tpu.memory_space<vmem>> -> memref<8x2048xf32, #tpu.memory_space<vmem>>
    %dma_wait3A_207 = tpu.memref_slice %arg2[%mul3A_30, %add3A_103] : memref<128x32768xf32, #tpu.memory_space<hbm>> -> memref<8x2048xf32, #tpu.memory_space<hbm>>
    tpu.wait_dma2 semaphore(%arg11 : memref<!tpu.dma_semaphore, #tpu.memory_space<semaphore_mem>>) src(%dma_wait3A_207 : memref<8x2048xf32, #tpu.memory_space<hbm>>) dst(%dma_wait3A_206 : memref<8x2048xf32, #tpu.memory_space<vmem>>)
    %parallel_loop3A_208 = arith.constant 0 : i32
    %parallel_loop3A_209 = arith.constant 128 : i32
    %parallel_loop3A_210 = arith.constant 1 : i32
    %parallel_loop3A_211:16 = scf.for %parallel_loop3A_555 = %parallel_loop3A_208 to %parallel_loop3A_209 step %parallel_loop3A_210 iter_args(%parallel_loop3A_556 = %parallel_loop3A_183#0, %parallel_loop3A_557 = %parallel_loop3A_183#1, %parallel_loop3A_558 = %parallel_loop3A_183#2, %parallel_loop3A_559 = %parallel_loop3A_183#3, %parallel_loop3A_560 = %parallel_loop3A_183#4, %parallel_loop3A_561 = %parallel_loop3A_183#5, %parallel_loop3A_562 = %parallel_loop3A_183#6, %parallel_loop3A_563 = %parallel_loop3A_183#7, %parallel_loop3A_564 = %parallel_loop3A_183#8, %parallel_loop3A_565 = %parallel_loop3A_183#9, %parallel_loop3A_566 = %parallel_loop3A_183#10, %parallel_loop3A_567 = %parallel_loop3A_183#11, %parallel_loop3A_568 = %parallel_loop3A_183#12, %parallel_loop3A_569 = %parallel_loop3A_183#13, %parallel_loop3A_570 = %parallel_loop3A_183#14, %parallel_loop3A_571 = %parallel_loop3A_183#15) -> (vector<16xf32>, vector<16xf32>, vector<16xf32>, vector<16xf32>, vector<16xf32>, vector<16xf32>, vector<16xf32>, vector<16xf32>, vector<16xi32>, vector<16xi32>, vector<16xi32>, vector<16xi32>, vector<16xi32>, vector<16xi32>, vector<16xi32>, vector<16xi32>)  : i32 {
      %parallel_loop3A_572 = arith.constant 0 : i32
      %parallel_loop3A_573 = vector.broadcast %parallel_loop3A_572 : i32 to vector<16xi32>
      %parallel_loop3A_574 = arith.constant 384 : i32
      %parallel_loop3A_575 = arith.addi %parallel_loop3A_574, %parallel_loop3A_555 : i32
      %parallel_loop3A_576 = vector.broadcast %parallel_loop3A_575 : i32 to vector<16xi32>
      %parallel_loop3A_577 = arith.addi %parallel_loop3A_573, %parallel_loop3A_576 : vector<16xi32>
      %parallel_loop3A_578 = arith.constant 16 : i32
      %parallel_loop3A_579 = arith.muli %parallel_loop3A_555, %parallel_loop3A_578 : i32
      %parallel_loop3A_580 = arith.constant 3 : i32
      %parallel_loop3A_581 = arith.constant 0 : i32
      %parallel_loop3A_582 = arith.index_cast %parallel_loop3A_580 : i32 to index
      %parallel_loop3A_583 = arith.index_cast %parallel_loop3A_581 : i32 to index
      %parallel_loop3A_584 = arith.index_cast %parallel_loop3A_579 : i32 to index
      %parallel_loop3A_585 = tpu.vector_load %arg5[%parallel_loop3A_582, %parallel_loop3A_583, %parallel_loop3A_584] {strides = array<i32>} : memref<4x8x2048xf32, #tpu.memory_space<vmem>>, vector<16xf32>,
      %parallel_loop3A_586 = arith.cmpf olt, %parallel_loop3A_585, %parallel_loop3A_556 : vector<16xf32>
      %parallel_loop3A_587 = arith.select %parallel_loop3A_586, %parallel_loop3A_585, %parallel_loop3A_556 : vector<16xi1>, vector<16xf32>
      %parallel_loop3A_588 = arith.select %parallel_loop3A_586, %parallel_loop3A_577, %parallel_loop3A_564 : vector<16xi1>, vector<16xi32>
      %parallel_loop3A_589 = arith.constant 16 : i32
      %parallel_loop3A_590 = arith.muli %parallel_loop3A_555, %parallel_loop3A_589 : i32
      %parallel_loop3A_591 = arith.constant 3 : i32
      %parallel_loop3A_592 = arith.constant 1 : i32
      %parallel_loop3A_593 = arith.index_cast %parallel_loop3A_591 : i32 to index
      %parallel_loop3A_594 = arith.index_cast %parallel_loop3A_592 : i32 to index
      %parallel_loop3A_595 = arith.index_cast %parallel_loop3A_590 : i32 to index
      %parallel_loop3A_596 = tpu.vector_load %arg5[%parallel_loop3A_593, %parallel_loop3A_594, %parallel_loop3A_595] {strides = array<i32>} : memref<4x8x2048xf32, #tpu.memory_space<vmem>>, vector<16xf32>,
      %parallel_loop3A_597 = arith.cmpf olt, %parallel_loop3A_596, %parallel_loop3A_557 : vector<16xf32>
      %parallel_loop3A_598 = arith.select %parallel_loop3A_597, %parallel_loop3A_596, %parallel_loop3A_557 : vector<16xi1>, vector<16xf32>
      %parallel_loop3A_599 = arith.select %parallel_loop3A_597, %parallel_loop3A_577, %parallel_loop3A_565 : vector<16xi1>, vector<16xi32>
      %parallel_loop3A_600 = arith.constant 16 : i32
      %parallel_loop3A_601 = arith.muli %parallel_loop3A_555, %parallel_loop3A_600 : i32
      %parallel_loop3A_602 = arith.constant 3 : i32
      %parallel_loop3A_603 = arith.constant 2 : i32
      %parallel_loop3A_604 = arith.index_cast %parallel_loop3A_602 : i32 to index
      %parallel_loop3A_605 = arith.index_cast %parallel_loop3A_603 : i32 to index
      %parallel_loop3A_606 = arith.index_cast %parallel_loop3A_601 : i32 to index
      %parallel_loop3A_607 = tpu.vector_load %arg5[%parallel_loop3A_604, %parallel_loop3A_605, %parallel_loop3A_606] {strides = array<i32>} : memref<4x8x2048xf32, #tpu.memory_space<vmem>>, vector<16xf32>,
      %parallel_loop3A_608 = arith.cmpf olt, %parallel_loop3A_607, %parallel_loop3A_558 : vector<16xf32>
      %parallel_loop3A_609 = arith.select %parallel_loop3A_608, %parallel_loop3A_607, %parallel_loop3A_558 : vector<16xi1>, vector<16xf32>
      %parallel_loop3A_610 = arith.select %parallel_loop3A_608, %parallel_loop3A_577, %parallel_loop3A_566 : vector<16xi1>, vector<16xi32>
      %parallel_loop3A_611 = arith.constant 16 : i32
      %parallel_loop3A_612 = arith.muli %parallel_loop3A_555, %parallel_loop3A_611 : i32
      %parallel_loop3A_613 = arith.constant 3 : i32
      %parallel_loop3A_614 = arith.constant 3 : i32
      %parallel_loop3A_615 = arith.index_cast %parallel_loop3A_613 : i32 to index
      %parallel_loop3A_616 = arith.index_cast %parallel_loop3A_614 : i32 to index
      %parallel_loop3A_617 = arith.index_cast %parallel_loop3A_612 : i32 to index
      %parallel_loop3A_618 = tpu.vector_load %arg5[%parallel_loop3A_615, %parallel_loop3A_616, %parallel_loop3A_617] {strides = array<i32>} : memref<4x8x2048xf32, #tpu.memory_space<vmem>>, vector<16xf32>,
      %parallel_loop3A_619 = arith.cmpf olt, %parallel_loop3A_618, %parallel_loop3A_559 : vector<16xf32>
      %parallel_loop3A_620 = arith.select %parallel_loop3A_619, %parallel_loop3A_618, %parallel_loop3A_559 : vector<16xi1>, vector<16xf32>
      %parallel_loop3A_621 = arith.select %parallel_loop3A_619, %parallel_loop3A_577, %parallel_loop3A_567 : vector<16xi1>, vector<16xi32>
      %parallel_loop3A_622 = arith.constant 16 : i32
      %parallel_loop3A_623 = arith.muli %parallel_loop3A_555, %parallel_loop3A_622 : i32
      %parallel_loop3A_624 = arith.constant 3 : i32
      %parallel_loop3A_625 = arith.constant 4 : i32
      %parallel_loop3A_626 = arith.index_cast %parallel_loop3A_624 : i32 to index
      %parallel_loop3A_627 = arith.index_cast %parallel_loop3A_625 : i32 to index
      %parallel_loop3A_628 = arith.index_cast %parallel_loop3A_623 : i32 to index
      %parallel_loop3A_629 = tpu.vector_load %arg5[%parallel_loop3A_626, %parallel_loop3A_627, %parallel_loop3A_628] {strides = array<i32>} : memref<4x8x2048xf32, #tpu.memory_space<vmem>>, vector<16xf32>,
      %parallel_loop3A_630 = arith.cmpf olt, %parallel_loop3A_629, %parallel_loop3A_560 : vector<16xf32>
      %parallel_loop3A_631 = arith.select %parallel_loop3A_630, %parallel_loop3A_629, %parallel_loop3A_560 : vector<16xi1>, vector<16xf32>
      %parallel_loop3A_632 = arith.select %parallel_loop3A_630, %parallel_loop3A_577, %parallel_loop3A_568 : vector<16xi1>, vector<16xi32>
      %parallel_loop3A_633 = arith.constant 16 : i32
      %parallel_loop3A_634 = arith.muli %parallel_loop3A_555, %parallel_loop3A_633 : i32
      %parallel_loop3A_635 = arith.constant 3 : i32
      %parallel_loop3A_636 = arith.constant 5 : i32
      %parallel_loop3A_637 = arith.index_cast %parallel_loop3A_635 : i32 to index
      %parallel_loop3A_638 = arith.index_cast %parallel_loop3A_636 : i32 to index
      %parallel_loop3A_639 = arith.index_cast %parallel_loop3A_634 : i32 to index
      %parallel_loop3A_640 = tpu.vector_load %arg5[%parallel_loop3A_637, %parallel_loop3A_638, %parallel_loop3A_639] {strides = array<i32>} : memref<4x8x2048xf32, #tpu.memory_space<vmem>>, vector<16xf32>,
      %parallel_loop3A_641 = arith.cmpf olt, %parallel_loop3A_640, %parallel_loop3A_561 : vector<16xf32>
      %parallel_loop3A_642 = arith.select %parallel_loop3A_641, %parallel_loop3A_640, %parallel_loop3A_561 : vector<16xi1>, vector<16xf32>
      %parallel_loop3A_643 = arith.select %parallel_loop3A_641, %parallel_loop3A_577, %parallel_loop3A_569 : vector<16xi1>, vector<16xi32>
      %parallel_loop3A_644 = arith.constant 16 : i32
      %parallel_loop3A_645 = arith.muli %parallel_loop3A_555, %parallel_loop3A_644 : i32
      %parallel_loop3A_646 = arith.constant 3 : i32
      %parallel_loop3A_647 = arith.constant 6 : i32
      %parallel_loop3A_648 = arith.index_cast %parallel_loop3A_646 : i32 to index
      %parallel_loop3A_649 = arith.index_cast %parallel_loop3A_647 : i32 to index
      %parallel_loop3A_650 = arith.index_cast %parallel_loop3A_645 : i32 to index
      %parallel_loop3A_651 = tpu.vector_load %arg5[%parallel_loop3A_648, %parallel_loop3A_649, %parallel_loop3A_650] {strides = array<i32>} : memref<4x8x2048xf32, #tpu.memory_space<vmem>>, vector<16xf32>,
      %parallel_loop3A_652 = arith.cmpf olt, %parallel_loop3A_651, %parallel_loop3A_562 : vector<16xf32>
      %parallel_loop3A_653 = arith.select %parallel_loop3A_652, %parallel_loop3A_651, %parallel_loop3A_562 : vector<16xi1>, vector<16xf32>
      %parallel_loop3A_654 = arith.select %parallel_loop3A_652, %parallel_loop3A_577, %parallel_loop3A_570 : vector<16xi1>, vector<16xi32>
      %parallel_loop3A_655 = arith.constant 16 : i32
      %parallel_loop3A_656 = arith.muli %parallel_loop3A_555, %parallel_loop3A_655 : i32
      %parallel_loop3A_657 = arith.constant 3 : i32
      %parallel_loop3A_658 = arith.constant 7 : i32
      %parallel_loop3A_659 = arith.index_cast %parallel_loop3A_657 : i32 to index
      %parallel_loop3A_660 = arith.index_cast %parallel_loop3A_658 : i32 to index
      %parallel_loop3A_661 = arith.index_cast %parallel_loop3A_656 : i32 to index
      %parallel_loop3A_662 = tpu.vector_load %arg5[%parallel_loop3A_659, %parallel_loop3A_660, %parallel_loop3A_661] {strides = array<i32>} : memref<4x8x2048xf32, #tpu.memory_space<vmem>>, vector<16xf32>,
      %parallel_loop3A_663 = arith.cmpf olt, %parallel_loop3A_662, %parallel_loop3A_563 : vector<16xf32>
      %parallel_loop3A_664 = arith.select %parallel_loop3A_663, %parallel_loop3A_662, %parallel_loop3A_563 : vector<16xi1>, vector<16xf32>
      %parallel_loop3A_665 = arith.select %parallel_loop3A_663, %parallel_loop3A_577, %parallel_loop3A_571 : vector<16xi1>, vector<16xi32>
      scf.yield %parallel_loop3A_587, %parallel_loop3A_598, %parallel_loop3A_609, %parallel_loop3A_620, %parallel_loop3A_631, %parallel_loop3A_642, %parallel_loop3A_653, %parallel_loop3A_664, %parallel_loop3A_588, %parallel_loop3A_599, %parallel_loop3A_610, %parallel_loop3A_621, %parallel_loop3A_632, %parallel_loop3A_643, %parallel_loop3A_654, %parallel_loop3A_665 : vector<16xf32>, vector<16xf32>, vector<16xf32>, vector<16xf32>, vector<16xf32>, vector<16xf32>, vector<16xf32>, vector<16xf32>, vector<16xi32>, vector<16xi32>, vector<16xi32>, vector<16xi32>, vector<16xi32>, vector<16xi32>, vector<16xi32>, vector<16xi32>
    } {sc.loop_unroll_factor = 1 : i64, sc.parallel_access}
    %add3A_212 = arith.constant 14336 : i32
    %add3A_213 = arith.addi %mul3A_32, %add3A_212 : i32
    %dma_start3A_214 = arith.constant 3 : i32
    %dma_start3A_215 = arith.constant 0 : i32
    %dma_start3A_216 = arith.constant 0 : i32
    %dma_start3A_217 = tpu.memref_slice %arg5[%dma_start3A_214, %dma_start3A_215, %dma_start3A_216] : memref<4x8x2048xf32, #tpu.memory_space<vmem>> -> memref<1x8x2048xf32, #tpu.memory_space<vmem>>
    %dma_start3A_218 = tpu.memref_squeeze %dma_start3A_217 : memref<1x8x2048xf32, #tpu.memory_space<vmem>> -> memref<8x2048xf32, #tpu.memory_space<vmem>>
    %dma_start3A_219 = tpu.memref_slice %arg2[%mul3A_30, %add3A_213] : memref<128x32768xf32, #tpu.memory_space<hbm>> -> memref<8x2048xf32, #tpu.memory_space<hbm>>
    %dma_start3A_220 = arith.constant 0 : i32
    %dma_start3A_221 = arith.constant 0 : i32
    %dma_start3A_222 = tpu.memref_slice %arg5[%dma_start3A_214, %dma_start3A_220, %dma_start3A_221] : memref<4x8x2048xf32, #tpu.memory_space<vmem>> -> memref<1x8x2048xf32, #tpu.memory_space<vmem>>
    %dma_start3A_223 = tpu.memref_squeeze %dma_start3A_222 : memref<1x8x2048xf32, #tpu.memory_space<vmem>> -> memref<8x2048xf32, #tpu.memory_space<vmem>>
    %dma_start3A_224 = tpu.memref_slice %arg2[%mul3A_30, %add3A_213] : memref<128x32768xf32, #tpu.memory_space<hbm>> -> memref<8x2048xf32, #tpu.memory_space<hbm>>
    tpu.enqueue_dma source(%dma_start3A_224 : memref<8x2048xf32, #tpu.memory_space<hbm>>) target(%dma_start3A_223 : memref<8x2048xf32, #tpu.memory_space<vmem>>) target_semaphore(%arg11 : memref<!tpu.dma_semaphore, #tpu.memory_space<semaphore_mem>>)
    %dma_wait3A_225 = arith.constant 0 : i32
    %dma_wait3A_226 = arith.constant 0 : i32
    %dma_wait3A_227 = arith.constant 0 : i32
    %dma_wait3A_228 = tpu.memref_slice %arg5[%dma_wait3A_225, %dma_wait3A_226, %dma_wait3A_227] : memref<4x8x2048xf32, #tpu.memory_space<vmem>> -> memref<1x8x2048xf32, #tpu.memory_space<vmem>>
    %dma_wait3A_229 = tpu.memref_squeeze %dma_wait3A_228 : memref<1x8x2048xf32, #tpu.memory_space<vmem>> -> memref<8x2048xf32, #tpu.memory_space<vmem>>
    %dma_wait3A_230 = tpu.memref_slice %arg2[%mul3A_30, %add3A_129] : memref<128x32768xf32, #tpu.memory_space<hbm>> -> memref<8x2048xf32, #tpu.memory_space<hbm>>
    %dma_wait3A_231 = arith.constant 0 : i32
    %dma_wait3A_232 = arith.constant 0 : i32
    %dma_wait3A_233 = tpu.memref_slice %arg5[%dma_wait3A_225, %dma_wait3A_231, %dma_wait3A_232] : memref<4x8x2048xf32, #tpu.memory_space<vmem>> -> memref<1x8x2048xf32, #tpu.memory_space<vmem>>
    %dma_wait3A_234 = tpu.memref_squeeze %dma_wait3A_233 : memref<1x8x2048xf32, #tpu.memory_space<vmem>> -> memref<8x2048xf32, #tpu.memory_space<vmem>>
    %dma_wait3A_235 = tpu.memref_slice %arg2[%mul3A_30, %add3A_129] : memref<128x32768xf32, #tpu.memory_space<hbm>> -> memref<8x2048xf32, #tpu.memory_space<hbm>>
    tpu.wait_dma2 semaphore(%arg8 : memref<!tpu.dma_semaphore, #tpu.memory_space<semaphore_mem>>) src(%dma_wait3A_235 : memref<8x2048xf32, #tpu.memory_space<hbm>>) dst(%dma_wait3A_234 : memref<8x2048xf32, #tpu.memory_space<vmem>>)
    %parallel_loop3A_236 = arith.constant 0 : i32
    %parallel_loop3A_237 = arith.constant 128 : i32
    %parallel_loop3A_238 = arith.constant 1 : i32
    %parallel_loop3A_239:16 = scf.for %parallel_loop3A_555 = %parallel_loop3A_236 to %parallel_loop3A_237 step %parallel_loop3A_238 iter_args(%parallel_loop3A_556 = %parallel_loop3A_211#0, %parallel_loop3A_557 = %parallel_loop3A_211#1, %parallel_loop3A_558 = %parallel_loop3A_211#2, %parallel_loop3A_559 = %parallel_loop3A_211#3, %parallel_loop3A_560 = %parallel_loop3A_211#4, %parallel_loop3A_561 = %parallel_loop3A_211#5, %parallel_loop3A_562 = %parallel_loop3A_211#6, %parallel_loop3A_563 = %parallel_loop3A_211#7, %parallel_loop3A_564 = %parallel_loop3A_211#8, %parallel_loop3A_565 = %parallel_loop3A_211#9, %parallel_loop3A_566 = %parallel_loop3A_211#10, %parallel_loop3A_567 = %parallel_loop3A_211#11, %parallel_loop3A_568 = %parallel_loop3A_211#12, %parallel_loop3A_569 = %parallel_loop3A_211#13, %parallel_loop3A_570 = %parallel_loop3A_211#14, %parallel_loop3A_571 = %parallel_loop3A_211#15) -> (vector<16xf32>, vector<16xf32>, vector<16xf32>, vector<16xf32>, vector<16xf32>, vector<16xf32>, vector<16xf32>, vector<16xf32>, vector<16xi32>, vector<16xi32>, vector<16xi32>, vector<16xi32>, vector<16xi32>, vector<16xi32>, vector<16xi32>, vector<16xi32>)  : i32 {
      %parallel_loop3A_572 = arith.constant 0 : i32
      %parallel_loop3A_573 = vector.broadcast %parallel_loop3A_572 : i32 to vector<16xi32>
      %parallel_loop3A_574 = arith.constant 512 : i32
      %parallel_loop3A_575 = arith.addi %parallel_loop3A_574, %parallel_loop3A_555 : i32
      %parallel_loop3A_576 = vector.broadcast %parallel_loop3A_575 : i32 to vector<16xi32>
      %parallel_loop3A_577 = arith.addi %parallel_loop3A_573, %parallel_loop3A_576 : vector<16xi32>
      %parallel_loop3A_578 = arith.constant 16 : i32
      %parallel_loop3A_579 = arith.muli %parallel_loop3A_555, %parallel_loop3A_578 : i32
      %parallel_loop3A_580 = arith.constant 0 : i32
      %parallel_loop3A_581 = arith.constant 0 : i32
      %parallel_loop3A_582 = arith.index_cast %parallel_loop3A_580 : i32 to index
      %parallel_loop3A_583 = arith.index_cast %parallel_loop3A_581 : i32 to index
      %parallel_loop3A_584 = arith.index_cast %parallel_loop3A_579 : i32 to index
      %parallel_loop3A_585 = tpu.vector_load %arg5[%parallel_loop3A_582, %parallel_loop3A_583, %parallel_loop3A_584] {strides = array<i32>} : memref<4x8x2048xf32, #tpu.memory_space<vmem>>, vector<16xf32>,
      %parallel_loop3A_586 = arith.cmpf olt, %parallel_loop3A_585, %parallel_loop3A_556 : vector<16xf32>
      %parallel_loop3A_587 = arith.select %parallel_loop3A_586, %parallel_loop3A_585, %parallel_loop3A_556 : vector<16xi1>, vector<16xf32>
      %parallel_loop3A_588 = arith.select %parallel_loop3A_586, %parallel_loop3A_577, %parallel_loop3A_564 : vector<16xi1>, vector<16xi32>
      %parallel_loop3A_589 = arith.constant 16 : i32
      %parallel_loop3A_590 = arith.muli %parallel_loop3A_555, %parallel_loop3A_589 : i32
      %parallel_loop3A_591 = arith.constant 0 : i32
      %parallel_loop3A_592 = arith.constant 1 : i32
      %parallel_loop3A_593 = arith.index_cast %parallel_loop3A_591 : i32 to index
      %parallel_loop3A_594 = arith.index_cast %parallel_loop3A_592 : i32 to index
      %parallel_loop3A_595 = arith.index_cast %parallel_loop3A_590 : i32 to index
      %parallel_loop3A_596 = tpu.vector_load %arg5[%parallel_loop3A_593, %parallel_loop3A_594, %parallel_loop3A_595] {strides = array<i32>} : memref<4x8x2048xf32, #tpu.memory_space<vmem>>, vector<16xf32>,
      %parallel_loop3A_597 = arith.cmpf olt, %parallel_loop3A_596, %parallel_loop3A_557 : vector<16xf32>
      %parallel_loop3A_598 = arith.select %parallel_loop3A_597, %parallel_loop3A_596, %parallel_loop3A_557 : vector<16xi1>, vector<16xf32>
      %parallel_loop3A_599 = arith.select %parallel_loop3A_597, %parallel_loop3A_577, %parallel_loop3A_565 : vector<16xi1>, vector<16xi32>
      %parallel_loop3A_600 = arith.constant 16 : i32
      %parallel_loop3A_601 = arith.muli %parallel_loop3A_555, %parallel_loop3A_600 : i32
      %parallel_loop3A_602 = arith.constant 0 : i32
      %parallel_loop3A_603 = arith.constant 2 : i32
      %parallel_loop3A_604 = arith.index_cast %parallel_loop3A_602 : i32 to index
      %parallel_loop3A_605 = arith.index_cast %parallel_loop3A_603 : i32 to index
      %parallel_loop3A_606 = arith.index_cast %parallel_loop3A_601 : i32 to index
      %parallel_loop3A_607 = tpu.vector_load %arg5[%parallel_loop3A_604, %parallel_loop3A_605, %parallel_loop3A_606] {strides = array<i32>} : memref<4x8x2048xf32, #tpu.memory_space<vmem>>, vector<16xf32>,
      %parallel_loop3A_608 = arith.cmpf olt, %parallel_loop3A_607, %parallel_loop3A_558 : vector<16xf32>
      %parallel_loop3A_609 = arith.select %parallel_loop3A_608, %parallel_loop3A_607, %parallel_loop3A_558 : vector<16xi1>, vector<16xf32>
      %parallel_loop3A_610 = arith.select %parallel_loop3A_608, %parallel_loop3A_577, %parallel_loop3A_566 : vector<16xi1>, vector<16xi32>
      %parallel_loop3A_611 = arith.constant 16 : i32
      %parallel_loop3A_612 = arith.muli %parallel_loop3A_555, %parallel_loop3A_611 : i32
      %parallel_loop3A_613 = arith.constant 0 : i32
      %parallel_loop3A_614 = arith.constant 3 : i32
      %parallel_loop3A_615 = arith.index_cast %parallel_loop3A_613 : i32 to index
      %parallel_loop3A_616 = arith.index_cast %parallel_loop3A_614 : i32 to index
      %parallel_loop3A_617 = arith.index_cast %parallel_loop3A_612 : i32 to index
      %parallel_loop3A_618 = tpu.vector_load %arg5[%parallel_loop3A_615, %parallel_loop3A_616, %parallel_loop3A_617] {strides = array<i32>} : memref<4x8x2048xf32, #tpu.memory_space<vmem>>, vector<16xf32>,
      %parallel_loop3A_619 = arith.cmpf olt, %parallel_loop3A_618, %parallel_loop3A_559 : vector<16xf32>
      %parallel_loop3A_620 = arith.select %parallel_loop3A_619, %parallel_loop3A_618, %parallel_loop3A_559 : vector<16xi1>, vector<16xf32>
      %parallel_loop3A_621 = arith.select %parallel_loop3A_619, %parallel_loop3A_577, %parallel_loop3A_567 : vector<16xi1>, vector<16xi32>
      %parallel_loop3A_622 = arith.constant 16 : i32
      %parallel_loop3A_623 = arith.muli %parallel_loop3A_555, %parallel_loop3A_622 : i32
      %parallel_loop3A_624 = arith.constant 0 : i32
      %parallel_loop3A_625 = arith.constant 4 : i32
      %parallel_loop3A_626 = arith.index_cast %parallel_loop3A_624 : i32 to index
      %parallel_loop3A_627 = arith.index_cast %parallel_loop3A_625 : i32 to index
      %parallel_loop3A_628 = arith.index_cast %parallel_loop3A_623 : i32 to index
      %parallel_loop3A_629 = tpu.vector_load %arg5[%parallel_loop3A_626, %parallel_loop3A_627, %parallel_loop3A_628] {strides = array<i32>} : memref<4x8x2048xf32, #tpu.memory_space<vmem>>, vector<16xf32>,
      %parallel_loop3A_630 = arith.cmpf olt, %parallel_loop3A_629, %parallel_loop3A_560 : vector<16xf32>
      %parallel_loop3A_631 = arith.select %parallel_loop3A_630, %parallel_loop3A_629, %parallel_loop3A_560 : vector<16xi1>, vector<16xf32>
      %parallel_loop3A_632 = arith.select %parallel_loop3A_630, %parallel_loop3A_577, %parallel_loop3A_568 : vector<16xi1>, vector<16xi32>
      %parallel_loop3A_633 = arith.constant 16 : i32
      %parallel_loop3A_634 = arith.muli %parallel_loop3A_555, %parallel_loop3A_633 : i32
      %parallel_loop3A_635 = arith.constant 0 : i32
      %parallel_loop3A_636 = arith.constant 5 : i32
      %parallel_loop3A_637 = arith.index_cast %parallel_loop3A_635 : i32 to index
      %parallel_loop3A_638 = arith.index_cast %parallel_loop3A_636 : i32 to index
      %parallel_loop3A_639 = arith.index_cast %parallel_loop3A_634 : i32 to index
      %parallel_loop3A_640 = tpu.vector_load %arg5[%parallel_loop3A_637, %parallel_loop3A_638, %parallel_loop3A_639] {strides = array<i32>} : memref<4x8x2048xf32, #tpu.memory_space<vmem>>, vector<16xf32>,
      %parallel_loop3A_641 = arith.cmpf olt, %parallel_loop3A_640, %parallel_loop3A_561 : vector<16xf32>
      %parallel_loop3A_642 = arith.select %parallel_loop3A_641, %parallel_loop3A_640, %parallel_loop3A_561 : vector<16xi1>, vector<16xf32>
      %parallel_loop3A_643 = arith.select %parallel_loop3A_641, %parallel_loop3A_577, %parallel_loop3A_569 : vector<16xi1>, vector<16xi32>
      %parallel_loop3A_644 = arith.constant 16 : i32
      %parallel_loop3A_645 = arith.muli %parallel_loop3A_555, %parallel_loop3A_644 : i32
      %parallel_loop3A_646 = arith.constant 0 : i32
      %parallel_loop3A_647 = arith.constant 6 : i32
      %parallel_loop3A_648 = arith.index_cast %parallel_loop3A_646 : i32 to index
      %parallel_loop3A_649 = arith.index_cast %parallel_loop3A_647 : i32 to index
      %parallel_loop3A_650 = arith.index_cast %parallel_loop3A_645 : i32 to index
      %parallel_loop3A_651 = tpu.vector_load %arg5[%parallel_loop3A_648, %parallel_loop3A_649, %parallel_loop3A_650] {strides = array<i32>} : memref<4x8x2048xf32, #tpu.memory_space<vmem>>, vector<16xf32>,
      %parallel_loop3A_652 = arith.cmpf olt, %parallel_loop3A_651, %parallel_loop3A_562 : vector<16xf32>
      %parallel_loop3A_653 = arith.select %parallel_loop3A_652, %parallel_loop3A_651, %parallel_loop3A_562 : vector<16xi1>, vector<16xf32>
      %parallel_loop3A_654 = arith.select %parallel_loop3A_652, %parallel_loop3A_577, %parallel_loop3A_570 : vector<16xi1>, vector<16xi32>
      %parallel_loop3A_655 = arith.constant 16 : i32
      %parallel_loop3A_656 = arith.muli %parallel_loop3A_555, %parallel_loop3A_655 : i32
      %parallel_loop3A_657 = arith.constant 0 : i32
      %parallel_loop3A_658 = arith.constant 7 : i32
      %parallel_loop3A_659 = arith.index_cast %parallel_loop3A_657 : i32 to index
      %parallel_loop3A_660 = arith.index_cast %parallel_loop3A_658 : i32 to index
      %parallel_loop3A_661 = arith.index_cast %parallel_loop3A_656 : i32 to index
      %parallel_loop3A_662 = tpu.vector_load %arg5[%parallel_loop3A_659, %parallel_loop3A_660, %parallel_loop3A_661] {strides = array<i32>} : memref<4x8x2048xf32, #tpu.memory_space<vmem>>, vector<16xf32>,
      %parallel_loop3A_663 = arith.cmpf olt, %parallel_loop3A_662, %parallel_loop3A_563 : vector<16xf32>
      %parallel_loop3A_664 = arith.select %parallel_loop3A_663, %parallel_loop3A_662, %parallel_loop3A_563 : vector<16xi1>, vector<16xf32>
      %parallel_loop3A_665 = arith.select %parallel_loop3A_663, %parallel_loop3A_577, %parallel_loop3A_571 : vector<16xi1>, vector<16xi32>
      scf.yield %parallel_loop3A_587, %parallel_loop3A_598, %parallel_loop3A_609, %parallel_loop3A_620, %parallel_loop3A_631, %parallel_loop3A_642, %parallel_loop3A_653, %parallel_loop3A_664, %parallel_loop3A_588, %parallel_loop3A_599, %parallel_loop3A_610, %parallel_loop3A_621, %parallel_loop3A_632, %parallel_loop3A_643, %parallel_loop3A_654, %parallel_loop3A_665 : vector<16xf32>, vector<16xf32>, vector<16xf32>, vector<16xf32>, vector<16xf32>, vector<16xf32>, vector<16xf32>, vector<16xf32>, vector<16xi32>, vector<16xi32>, vector<16xi32>, vector<16xi32>, vector<16xi32>, vector<16xi32>, vector<16xi32>, vector<16xi32>
    } {sc.loop_unroll_factor = 1 : i64, sc.parallel_access}
    %dma_wait3A_240 = arith.constant 1 : i32
    %dma_wait3A_241 = arith.constant 0 : i32
    %dma_wait3A_242 = arith.constant 0 : i32
    %dma_wait3A_243 = tpu.memref_slice %arg5[%dma_wait3A_240, %dma_wait3A_241, %dma_wait3A_242] : memref<4x8x2048xf32, #tpu.memory_space<vmem>> -> memref<1x8x2048xf32, #tpu.memory_space<vmem>>
    %dma_wait3A_244 = tpu.memref_squeeze %dma_wait3A_243 : memref<1x8x2048xf32, #tpu.memory_space<vmem>> -> memref<8x2048xf32, #tpu.memory_space<vmem>>
    %dma_wait3A_245 = tpu.memref_slice %arg2[%mul3A_30, %add3A_157] : memref<128x32768xf32, #tpu.memory_space<hbm>> -> memref<8x2048xf32, #tpu.memory_space<hbm>>
    %dma_wait3A_246 = arith.constant 0 : i32
    %dma_wait3A_247 = arith.constant 0 : i32
    %dma_wait3A_248 = tpu.memref_slice %arg5[%dma_wait3A_240, %dma_wait3A_246, %dma_wait3A_247] : memref<4x8x2048xf32, #tpu.memory_space<vmem>> -> memref<1x8x2048xf32, #tpu.memory_space<vmem>>
    %dma_wait3A_249 = tpu.memref_squeeze %dma_wait3A_248 : memref<1x8x2048xf32, #tpu.memory_space<vmem>> -> memref<8x2048xf32, #tpu.memory_space<vmem>>
    %dma_wait3A_250 = tpu.memref_slice %arg2[%mul3A_30, %add3A_157] : memref<128x32768xf32, #tpu.memory_space<hbm>> -> memref<8x2048xf32, #tpu.memory_space<hbm>>
    tpu.wait_dma2 semaphore(%arg9 : memref<!tpu.dma_semaphore, #tpu.memory_space<semaphore_mem>>) src(%dma_wait3A_250 : memref<8x2048xf32, #tpu.memory_space<hbm>>) dst(%dma_wait3A_249 : memref<8x2048xf32, #tpu.memory_space<vmem>>)
    %parallel_loop3A_251 = arith.constant 0 : i32
    %parallel_loop3A_252 = arith.constant 128 : i32
    %parallel_loop3A_253 = arith.constant 1 : i32
    %parallel_loop3A_254:16 = scf.for %parallel_loop3A_555 = %parallel_loop3A_251 to %parallel_loop3A_252 step %parallel_loop3A_253 iter_args(%parallel_loop3A_556 = %parallel_loop3A_239#0, %parallel_loop3A_557 = %parallel_loop3A_239#1, %parallel_loop3A_558 = %parallel_loop3A_239#2, %parallel_loop3A_559 = %parallel_loop3A_239#3, %parallel_loop3A_560 = %parallel_loop3A_239#4, %parallel_loop3A_561 = %parallel_loop3A_239#5, %parallel_loop3A_562 = %parallel_loop3A_239#6, %parallel_loop3A_563 = %parallel_loop3A_239#7, %parallel_loop3A_564 = %parallel_loop3A_239#8, %parallel_loop3A_565 = %parallel_loop3A_239#9, %parallel_loop3A_566 = %parallel_loop3A_239#10, %parallel_loop3A_567 = %parallel_loop3A_239#11, %parallel_loop3A_568 = %parallel_loop3A_239#12, %parallel_loop3A_569 = %parallel_loop3A_239#13, %parallel_loop3A_570 = %parallel_loop3A_239#14, %parallel_loop3A_571 = %parallel_loop3A_239#15) -> (vector<16xf32>, vector<16xf32>, vector<16xf32>, vector<16xf32>, vector<16xf32>, vector<16xf32>, vector<16xf32>, vector<16xf32>, vector<16xi32>, vector<16xi32>, vector<16xi32>, vector<16xi32>, vector<16xi32>, vector<16xi32>, vector<16xi32>, vector<16xi32>)  : i32 {
      %parallel_loop3A_572 = arith.constant 0 : i32
      %parallel_loop3A_573 = vector.broadcast %parallel_loop3A_572 : i32 to vector<16xi32>
      %parallel_loop3A_574 = arith.constant 640 : i32
      %parallel_loop3A_575 = arith.addi %parallel_loop3A_574, %parallel_loop3A_555 : i32
      %parallel_loop3A_576 = vector.broadcast %parallel_loop3A_575 : i32 to vector<16xi32>
      %parallel_loop3A_577 = arith.addi %parallel_loop3A_573, %parallel_loop3A_576 : vector<16xi32>
      %parallel_loop3A_578 = arith.constant 16 : i32
      %parallel_loop3A_579 = arith.muli %parallel_loop3A_555, %parallel_loop3A_578 : i32
      %parallel_loop3A_580 = arith.constant 1 : i32
      %parallel_loop3A_581 = arith.constant 0 : i32
      %parallel_loop3A_582 = arith.index_cast %parallel_loop3A_580 : i32 to index
      %parallel_loop3A_583 = arith.index_cast %parallel_loop3A_581 : i32 to index
      %parallel_loop3A_584 = arith.index_cast %parallel_loop3A_579 : i32 to index
      %parallel_loop3A_585 = tpu.vector_load %arg5[%parallel_loop3A_582, %parallel_loop3A_583, %parallel_loop3A_584] {strides = array<i32>} : memref<4x8x2048xf32, #tpu.memory_space<vmem>>, vector<16xf32>,
      %parallel_loop3A_586 = arith.cmpf olt, %parallel_loop3A_585, %parallel_loop3A_556 : vector<16xf32>
      %parallel_loop3A_587 = arith.select %parallel_loop3A_586, %parallel_loop3A_585, %parallel_loop3A_556 : vector<16xi1>, vector<16xf32>
      %parallel_loop3A_588 = arith.select %parallel_loop3A_586, %parallel_loop3A_577, %parallel_loop3A_564 : vector<16xi1>, vector<16xi32>
      %parallel_loop3A_589 = arith.constant 16 : i32
      %parallel_loop3A_590 = arith.muli %parallel_loop3A_555, %parallel_loop3A_589 : i32
      %parallel_loop3A_591 = arith.constant 1 : i32
      %parallel_loop3A_592 = arith.constant 1 : i32
      %parallel_loop3A_593 = arith.index_cast %parallel_loop3A_591 : i32 to index
      %parallel_loop3A_594 = arith.index_cast %parallel_loop3A_592 : i32 to index
      %parallel_loop3A_595 = arith.index_cast %parallel_loop3A_590 : i32 to index
      %parallel_loop3A_596 = tpu.vector_load %arg5[%parallel_loop3A_593, %parallel_loop3A_594, %parallel_loop3A_595] {strides = array<i32>} : memref<4x8x2048xf32, #tpu.memory_space<vmem>>, vector<16xf32>,
      %parallel_loop3A_597 = arith.cmpf olt, %parallel_loop3A_596, %parallel_loop3A_557 : vector<16xf32>
      %parallel_loop3A_598 = arith.select %parallel_loop3A_597, %parallel_loop3A_596, %parallel_loop3A_557 : vector<16xi1>, vector<16xf32>
      %parallel_loop3A_599 = arith.select %parallel_loop3A_597, %parallel_loop3A_577, %parallel_loop3A_565 : vector<16xi1>, vector<16xi32>
      %parallel_loop3A_600 = arith.constant 16 : i32
      %parallel_loop3A_601 = arith.muli %parallel_loop3A_555, %parallel_loop3A_600 : i32
      %parallel_loop3A_602 = arith.constant 1 : i32
      %parallel_loop3A_603 = arith.constant 2 : i32
      %parallel_loop3A_604 = arith.index_cast %parallel_loop3A_602 : i32 to index
      %parallel_loop3A_605 = arith.index_cast %parallel_loop3A_603 : i32 to index
      %parallel_loop3A_606 = arith.index_cast %parallel_loop3A_601 : i32 to index
      %parallel_loop3A_607 = tpu.vector_load %arg5[%parallel_loop3A_604, %parallel_loop3A_605, %parallel_loop3A_606] {strides = array<i32>} : memref<4x8x2048xf32, #tpu.memory_space<vmem>>, vector<16xf32>,
      %parallel_loop3A_608 = arith.cmpf olt, %parallel_loop3A_607, %parallel_loop3A_558 : vector<16xf32>
      %parallel_loop3A_609 = arith.select %parallel_loop3A_608, %parallel_loop3A_607, %parallel_loop3A_558 : vector<16xi1>, vector<16xf32>
      %parallel_loop3A_610 = arith.select %parallel_loop3A_608, %parallel_loop3A_577, %parallel_loop3A_566 : vector<16xi1>, vector<16xi32>
      %parallel_loop3A_611 = arith.constant 16 : i32
      %parallel_loop3A_612 = arith.muli %parallel_loop3A_555, %parallel_loop3A_611 : i32
      %parallel_loop3A_613 = arith.constant 1 : i32
      %parallel_loop3A_614 = arith.constant 3 : i32
      %parallel_loop3A_615 = arith.index_cast %parallel_loop3A_613 : i32 to index
      %parallel_loop3A_616 = arith.index_cast %parallel_loop3A_614 : i32 to index
      %parallel_loop3A_617 = arith.index_cast %parallel_loop3A_612 : i32 to index
      %parallel_loop3A_618 = tpu.vector_load %arg5[%parallel_loop3A_615, %parallel_loop3A_616, %parallel_loop3A_617] {strides = array<i32>} : memref<4x8x2048xf32, #tpu.memory_space<vmem>>, vector<16xf32>,
      %parallel_loop3A_619 = arith.cmpf olt, %parallel_loop3A_618, %parallel_loop3A_559 : vector<16xf32>
      %parallel_loop3A_620 = arith.select %parallel_loop3A_619, %parallel_loop3A_618, %parallel_loop3A_559 : vector<16xi1>, vector<16xf32>
      %parallel_loop3A_621 = arith.select %parallel_loop3A_619, %parallel_loop3A_577, %parallel_loop3A_567 : vector<16xi1>, vector<16xi32>
      %parallel_loop3A_622 = arith.constant 16 : i32
      %parallel_loop3A_623 = arith.muli %parallel_loop3A_555, %parallel_loop3A_622 : i32
      %parallel_loop3A_624 = arith.constant 1 : i32
      %parallel_loop3A_625 = arith.constant 4 : i32
      %parallel_loop3A_626 = arith.index_cast %parallel_loop3A_624 : i32 to index
      %parallel_loop3A_627 = arith.index_cast %parallel_loop3A_625 : i32 to index
      %parallel_loop3A_628 = arith.index_cast %parallel_loop3A_623 : i32 to index
      %parallel_loop3A_629 = tpu.vector_load %arg5[%parallel_loop3A_626, %parallel_loop3A_627, %parallel_loop3A_628] {strides = array<i32>} : memref<4x8x2048xf32, #tpu.memory_space<vmem>>, vector<16xf32>,
      %parallel_loop3A_630 = arith.cmpf olt, %parallel_loop3A_629, %parallel_loop3A_560 : vector<16xf32>
      %parallel_loop3A_631 = arith.select %parallel_loop3A_630, %parallel_loop3A_629, %parallel_loop3A_560 : vector<16xi1>, vector<16xf32>
      %parallel_loop3A_632 = arith.select %parallel_loop3A_630, %parallel_loop3A_577, %parallel_loop3A_568 : vector<16xi1>, vector<16xi32>
      %parallel_loop3A_633 = arith.constant 16 : i32
      %parallel_loop3A_634 = arith.muli %parallel_loop3A_555, %parallel_loop3A_633 : i32
      %parallel_loop3A_635 = arith.constant 1 : i32
      %parallel_loop3A_636 = arith.constant 5 : i32
      %parallel_loop3A_637 = arith.index_cast %parallel_loop3A_635 : i32 to index
      %parallel_loop3A_638 = arith.index_cast %parallel_loop3A_636 : i32 to index
      %parallel_loop3A_639 = arith.index_cast %parallel_loop3A_634 : i32 to index
      %parallel_loop3A_640 = tpu.vector_load %arg5[%parallel_loop3A_637, %parallel_loop3A_638, %parallel_loop3A_639] {strides = array<i32>} : memref<4x8x2048xf32, #tpu.memory_space<vmem>>, vector<16xf32>,
      %parallel_loop3A_641 = arith.cmpf olt, %parallel_loop3A_640, %parallel_loop3A_561 : vector<16xf32>
      %parallel_loop3A_642 = arith.select %parallel_loop3A_641, %parallel_loop3A_640, %parallel_loop3A_561 : vector<16xi1>, vector<16xf32>
      %parallel_loop3A_643 = arith.select %parallel_loop3A_641, %parallel_loop3A_577, %parallel_loop3A_569 : vector<16xi1>, vector<16xi32>
      %parallel_loop3A_644 = arith.constant 16 : i32
      %parallel_loop3A_645 = arith.muli %parallel_loop3A_555, %parallel_loop3A_644 : i32
      %parallel_loop3A_646 = arith.constant 1 : i32
      %parallel_loop3A_647 = arith.constant 6 : i32
      %parallel_loop3A_648 = arith.index_cast %parallel_loop3A_646 : i32 to index
      %parallel_loop3A_649 = arith.index_cast %parallel_loop3A_647 : i32 to index
      %parallel_loop3A_650 = arith.index_cast %parallel_loop3A_645 : i32 to index
      %parallel_loop3A_651 = tpu.vector_load %arg5[%parallel_loop3A_648, %parallel_loop3A_649, %parallel_loop3A_650] {strides = array<i32>} : memref<4x8x2048xf32, #tpu.memory_space<vmem>>, vector<16xf32>,
      %parallel_loop3A_652 = arith.cmpf olt, %parallel_loop3A_651, %parallel_loop3A_562 : vector<16xf32>
      %parallel_loop3A_653 = arith.select %parallel_loop3A_652, %parallel_loop3A_651, %parallel_loop3A_562 : vector<16xi1>, vector<16xf32>
      %parallel_loop3A_654 = arith.select %parallel_loop3A_652, %parallel_loop3A_577, %parallel_loop3A_570 : vector<16xi1>, vector<16xi32>
      %parallel_loop3A_655 = arith.constant 16 : i32
      %parallel_loop3A_656 = arith.muli %parallel_loop3A_555, %parallel_loop3A_655 : i32
      %parallel_loop3A_657 = arith.constant 1 : i32
      %parallel_loop3A_658 = arith.constant 7 : i32
      %parallel_loop3A_659 = arith.index_cast %parallel_loop3A_657 : i32 to index
      %parallel_loop3A_660 = arith.index_cast %parallel_loop3A_658 : i32 to index
      %parallel_loop3A_661 = arith.index_cast %parallel_loop3A_656 : i32 to index
      %parallel_loop3A_662 = tpu.vector_load %arg5[%parallel_loop3A_659, %parallel_loop3A_660, %parallel_loop3A_661] {strides = array<i32>} : memref<4x8x2048xf32, #tpu.memory_space<vmem>>, vector<16xf32>,
      %parallel_loop3A_663 = arith.cmpf olt, %parallel_loop3A_662, %parallel_loop3A_563 : vector<16xf32>
      %parallel_loop3A_664 = arith.select %parallel_loop3A_663, %parallel_loop3A_662, %parallel_loop3A_563 : vector<16xi1>, vector<16xf32>
      %parallel_loop3A_665 = arith.select %parallel_loop3A_663, %parallel_loop3A_577, %parallel_loop3A_571 : vector<16xi1>, vector<16xi32>
      scf.yield %parallel_loop3A_587, %parallel_loop3A_598, %parallel_loop3A_609, %parallel_loop3A_620, %parallel_loop3A_631, %parallel_loop3A_642, %parallel_loop3A_653, %parallel_loop3A_664, %parallel_loop3A_588, %parallel_loop3A_599, %parallel_loop3A_610, %parallel_loop3A_621, %parallel_loop3A_632, %parallel_loop3A_643, %parallel_loop3A_654, %parallel_loop3A_665 : vector<16xf32>, vector<16xf32>, vector<16xf32>, vector<16xf32>, vector<16xf32>, vector<16xf32>, vector<16xf32>, vector<16xf32>, vector<16xi32>, vector<16xi32>, vector<16xi32>, vector<16xi32>, vector<16xi32>, vector<16xi32>, vector<16xi32>, vector<16xi32>
    } {sc.loop_unroll_factor = 1 : i64, sc.parallel_access}
    %dma_wait3A_255 = arith.constant 2 : i32
    %dma_wait3A_256 = arith.constant 0 : i32
    %dma_wait3A_257 = arith.constant 0 : i32
    %dma_wait3A_258 = tpu.memref_slice %arg5[%dma_wait3A_255, %dma_wait3A_256, %dma_wait3A_257] : memref<4x8x2048xf32, #tpu.memory_space<vmem>> -> memref<1x8x2048xf32, #tpu.memory_space<vmem>>
    %dma_wait3A_259 = tpu.memref_squeeze %dma_wait3A_258 : memref<1x8x2048xf32, #tpu.memory_space<vmem>> -> memref<8x2048xf32, #tpu.memory_space<vmem>>
    %dma_wait3A_260 = tpu.memref_slice %arg2[%mul3A_30, %add3A_185] : memref<128x32768xf32, #tpu.memory_space<hbm>> -> memref<8x2048xf32, #tpu.memory_space<hbm>>
    %dma_wait3A_261 = arith.constant 0 : i32
    %dma_wait3A_262 = arith.constant 0 : i32
    %dma_wait3A_263 = tpu.memref_slice %arg5[%dma_wait3A_255, %dma_wait3A_261, %dma_wait3A_262] : memref<4x8x2048xf32, #tpu.memory_space<vmem>> -> memref<1x8x2048xf32, #tpu.memory_space<vmem>>
    %dma_wait3A_264 = tpu.memref_squeeze %dma_wait3A_263 : memref<1x8x2048xf32, #tpu.memory_space<vmem>> -> memref<8x2048xf32, #tpu.memory_space<vmem>>
    %dma_wait3A_265 = tpu.memref_slice %arg2[%mul3A_30, %add3A_185] : memref<128x32768xf32, #tpu.memory_space<hbm>> -> memref<8x2048xf32, #tpu.memory_space<hbm>>
    tpu.wait_dma2 semaphore(%arg10 : memref<!tpu.dma_semaphore, #tpu.memory_space<semaphore_mem>>) src(%dma_wait3A_265 : memref<8x2048xf32, #tpu.memory_space<hbm>>) dst(%dma_wait3A_264 : memref<8x2048xf32, #tpu.memory_space<vmem>>)
    %parallel_loop3A_266 = arith.constant 0 : i32
    %parallel_loop3A_267 = arith.constant 128 : i32
    %parallel_loop3A_268 = arith.constant 1 : i32
    %parallel_loop3A_269:16 = scf.for %parallel_loop3A_555 = %parallel_loop3A_266 to %parallel_loop3A_267 step %parallel_loop3A_268 iter_args(%parallel_loop3A_556 = %parallel_loop3A_254#0, %parallel_loop3A_557 = %parallel_loop3A_254#1, %parallel_loop3A_558 = %parallel_loop3A_254#2, %parallel_loop3A_559 = %parallel_loop3A_254#3, %parallel_loop3A_560 = %parallel_loop3A_254#4, %parallel_loop3A_561 = %parallel_loop3A_254#5, %parallel_loop3A_562 = %parallel_loop3A_254#6, %parallel_loop3A_563 = %parallel_loop3A_254#7, %parallel_loop3A_564 = %parallel_loop3A_254#8, %parallel_loop3A_565 = %parallel_loop3A_254#9, %parallel_loop3A_566 = %parallel_loop3A_254#10, %parallel_loop3A_567 = %parallel_loop3A_254#11, %parallel_loop3A_568 = %parallel_loop3A_254#12, %parallel_loop3A_569 = %parallel_loop3A_254#13, %parallel_loop3A_570 = %parallel_loop3A_254#14, %parallel_loop3A_571 = %parallel_loop3A_254#15) -> (vector<16xf32>, vector<16xf32>, vector<16xf32>, vector<16xf32>, vector<16xf32>, vector<16xf32>, vector<16xf32>, vector<16xf32>, vector<16xi32>, vector<16xi32>, vector<16xi32>, vector<16xi32>, vector<16xi32>, vector<16xi32>, vector<16xi32>, vector<16xi32>)  : i32 {
      %parallel_loop3A_572 = arith.constant 0 : i32
      %parallel_loop3A_573 = vector.broadcast %parallel_loop3A_572 : i32 to vector<16xi32>
      %parallel_loop3A_574 = arith.constant 768 : i32
      %parallel_loop3A_575 = arith.addi %parallel_loop3A_574, %parallel_loop3A_555 : i32
      %parallel_loop3A_576 = vector.broadcast %parallel_loop3A_575 : i32 to vector<16xi32>
      %parallel_loop3A_577 = arith.addi %parallel_loop3A_573, %parallel_loop3A_576 : vector<16xi32>
      %parallel_loop3A_578 = arith.constant 16 : i32
      %parallel_loop3A_579 = arith.muli %parallel_loop3A_555, %parallel_loop3A_578 : i32
      %parallel_loop3A_580 = arith.constant 2 : i32
      %parallel_loop3A_581 = arith.constant 0 : i32
      %parallel_loop3A_582 = arith.index_cast %parallel_loop3A_580 : i32 to index
      %parallel_loop3A_583 = arith.index_cast %parallel_loop3A_581 : i32 to index
      %parallel_loop3A_584 = arith.index_cast %parallel_loop3A_579 : i32 to index
      %parallel_loop3A_585 = tpu.vector_load %arg5[%parallel_loop3A_582, %parallel_loop3A_583, %parallel_loop3A_584] {strides = array<i32>} : memref<4x8x2048xf32, #tpu.memory_space<vmem>>, vector<16xf32>,
      %parallel_loop3A_586 = arith.cmpf olt, %parallel_loop3A_585, %parallel_loop3A_556 : vector<16xf32>
      %parallel_loop3A_587 = arith.select %parallel_loop3A_586, %parallel_loop3A_585, %parallel_loop3A_556 : vector<16xi1>, vector<16xf32>
      %parallel_loop3A_588 = arith.select %parallel_loop3A_586, %parallel_loop3A_577, %parallel_loop3A_564 : vector<16xi1>, vector<16xi32>
      %parallel_loop3A_589 = arith.constant 16 : i32
      %parallel_loop3A_590 = arith.muli %parallel_loop3A_555, %parallel_loop3A_589 : i32
      %parallel_loop3A_591 = arith.constant 2 : i32
      %parallel_loop3A_592 = arith.constant 1 : i32
      %parallel_loop3A_593 = arith.index_cast %parallel_loop3A_591 : i32 to index
      %parallel_loop3A_594 = arith.index_cast %parallel_loop3A_592 : i32 to index
      %parallel_loop3A_595 = arith.index_cast %parallel_loop3A_590 : i32 to index
      %parallel_loop3A_596 = tpu.vector_load %arg5[%parallel_loop3A_593, %parallel_loop3A_594, %parallel_loop3A_595] {strides = array<i32>} : memref<4x8x2048xf32, #tpu.memory_space<vmem>>, vector<16xf32>,
      %parallel_loop3A_597 = arith.cmpf olt, %parallel_loop3A_596, %parallel_loop3A_557 : vector<16xf32>
      %parallel_loop3A_598 = arith.select %parallel_loop3A_597, %parallel_loop3A_596, %parallel_loop3A_557 : vector<16xi1>, vector<16xf32>
      %parallel_loop3A_599 = arith.select %parallel_loop3A_597, %parallel_loop3A_577, %parallel_loop3A_565 : vector<16xi1>, vector<16xi32>
      %parallel_loop3A_600 = arith.constant 16 : i32
      %parallel_loop3A_601 = arith.muli %parallel_loop3A_555, %parallel_loop3A_600 : i32
      %parallel_loop3A_602 = arith.constant 2 : i32
      %parallel_loop3A_603 = arith.constant 2 : i32
      %parallel_loop3A_604 = arith.index_cast %parallel_loop3A_602 : i32 to index
      %parallel_loop3A_605 = arith.index_cast %parallel_loop3A_603 : i32 to index
      %parallel_loop3A_606 = arith.index_cast %parallel_loop3A_601 : i32 to index
      %parallel_loop3A_607 = tpu.vector_load %arg5[%parallel_loop3A_604, %parallel_loop3A_605, %parallel_loop3A_606] {strides = array<i32>} : memref<4x8x2048xf32, #tpu.memory_space<vmem>>, vector<16xf32>,
      %parallel_loop3A_608 = arith.cmpf olt, %parallel_loop3A_607, %parallel_loop3A_558 : vector<16xf32>
      %parallel_loop3A_609 = arith.select %parallel_loop3A_608, %parallel_loop3A_607, %parallel_loop3A_558 : vector<16xi1>, vector<16xf32>
      %parallel_loop3A_610 = arith.select %parallel_loop3A_608, %parallel_loop3A_577, %parallel_loop3A_566 : vector<16xi1>, vector<16xi32>
      %parallel_loop3A_611 = arith.constant 16 : i32
      %parallel_loop3A_612 = arith.muli %parallel_loop3A_555, %parallel_loop3A_611 : i32
      %parallel_loop3A_613 = arith.constant 2 : i32
      %parallel_loop3A_614 = arith.constant 3 : i32
      %parallel_loop3A_615 = arith.index_cast %parallel_loop3A_613 : i32 to index
      %parallel_loop3A_616 = arith.index_cast %parallel_loop3A_614 : i32 to index
      %parallel_loop3A_617 = arith.index_cast %parallel_loop3A_612 : i32 to index
      %parallel_loop3A_618 = tpu.vector_load %arg5[%parallel_loop3A_615, %parallel_loop3A_616, %parallel_loop3A_617] {strides = array<i32>} : memref<4x8x2048xf32, #tpu.memory_space<vmem>>, vector<16xf32>,
      %parallel_loop3A_619 = arith.cmpf olt, %parallel_loop3A_618, %parallel_loop3A_559 : vector<16xf32>
      %parallel_loop3A_620 = arith.select %parallel_loop3A_619, %parallel_loop3A_618, %parallel_loop3A_559 : vector<16xi1>, vector<16xf32>
      %parallel_loop3A_621 = arith.select %parallel_loop3A_619, %parallel_loop3A_577, %parallel_loop3A_567 : vector<16xi1>, vector<16xi32>
      %parallel_loop3A_622 = arith.constant 16 : i32
      %parallel_loop3A_623 = arith.muli %parallel_loop3A_555, %parallel_loop3A_622 : i32
      %parallel_loop3A_624 = arith.constant 2 : i32
      %parallel_loop3A_625 = arith.constant 4 : i32
      %parallel_loop3A_626 = arith.index_cast %parallel_loop3A_624 : i32 to index
      %parallel_loop3A_627 = arith.index_cast %parallel_loop3A_625 : i32 to index
      %parallel_loop3A_628 = arith.index_cast %parallel_loop3A_623 : i32 to index
      %parallel_loop3A_629 = tpu.vector_load %arg5[%parallel_loop3A_626, %parallel_loop3A_627, %parallel_loop3A_628] {strides = array<i32>} : memref<4x8x2048xf32, #tpu.memory_space<vmem>>, vector<16xf32>,
      %parallel_loop3A_630 = arith.cmpf olt, %parallel_loop3A_629, %parallel_loop3A_560 : vector<16xf32>
      %parallel_loop3A_631 = arith.select %parallel_loop3A_630, %parallel_loop3A_629, %parallel_loop3A_560 : vector<16xi1>, vector<16xf32>
      %parallel_loop3A_632 = arith.select %parallel_loop3A_630, %parallel_loop3A_577, %parallel_loop3A_568 : vector<16xi1>, vector<16xi32>
      %parallel_loop3A_633 = arith.constant 16 : i32
      %parallel_loop3A_634 = arith.muli %parallel_loop3A_555, %parallel_loop3A_633 : i32
      %parallel_loop3A_635 = arith.constant 2 : i32
      %parallel_loop3A_636 = arith.constant 5 : i32
      %parallel_loop3A_637 = arith.index_cast %parallel_loop3A_635 : i32 to index
      %parallel_loop3A_638 = arith.index_cast %parallel_loop3A_636 : i32 to index
      %parallel_loop3A_639 = arith.index_cast %parallel_loop3A_634 : i32 to index
      %parallel_loop3A_640 = tpu.vector_load %arg5[%parallel_loop3A_637, %parallel_loop3A_638, %parallel_loop3A_639] {strides = array<i32>} : memref<4x8x2048xf32, #tpu.memory_space<vmem>>, vector<16xf32>,
      %parallel_loop3A_641 = arith.cmpf olt, %parallel_loop3A_640, %parallel_loop3A_561 : vector<16xf32>
      %parallel_loop3A_642 = arith.select %parallel_loop3A_641, %parallel_loop3A_640, %parallel_loop3A_561 : vector<16xi1>, vector<16xf32>
      %parallel_loop3A_643 = arith.select %parallel_loop3A_641, %parallel_loop3A_577, %parallel_loop3A_569 : vector<16xi1>, vector<16xi32>
      %parallel_loop3A_644 = arith.constant 16 : i32
      %parallel_loop3A_645 = arith.muli %parallel_loop3A_555, %parallel_loop3A_644 : i32
      %parallel_loop3A_646 = arith.constant 2 : i32
      %parallel_loop3A_647 = arith.constant 6 : i32
      %parallel_loop3A_648 = arith.index_cast %parallel_loop3A_646 : i32 to index
      %parallel_loop3A_649 = arith.index_cast %parallel_loop3A_647 : i32 to index
      %parallel_loop3A_650 = arith.index_cast %parallel_loop3A_645 : i32 to index
      %parallel_loop3A_651 = tpu.vector_load %arg5[%parallel_loop3A_648, %parallel_loop3A_649, %parallel_loop3A_650] {strides = array<i32>} : memref<4x8x2048xf32, #tpu.memory_space<vmem>>, vector<16xf32>,
      %parallel_loop3A_652 = arith.cmpf olt, %parallel_loop3A_651, %parallel_loop3A_562 : vector<16xf32>
      %parallel_loop3A_653 = arith.select %parallel_loop3A_652, %parallel_loop3A_651, %parallel_loop3A_562 : vector<16xi1>, vector<16xf32>
      %parallel_loop3A_654 = arith.select %parallel_loop3A_652, %parallel_loop3A_577, %parallel_loop3A_570 : vector<16xi1>, vector<16xi32>
      %parallel_loop3A_655 = arith.constant 16 : i32
      %parallel_loop3A_656 = arith.muli %parallel_loop3A_555, %parallel_loop3A_655 : i32
      %parallel_loop3A_657 = arith.constant 2 : i32
      %parallel_loop3A_658 = arith.constant 7 : i32
      %parallel_loop3A_659 = arith.index_cast %parallel_loop3A_657 : i32 to index
      %parallel_loop3A_660 = arith.index_cast %parallel_loop3A_658 : i32 to index
      %parallel_loop3A_661 = arith.index_cast %parallel_loop3A_656 : i32 to index
      %parallel_loop3A_662 = tpu.vector_load %arg5[%parallel_loop3A_659, %parallel_loop3A_660, %parallel_loop3A_661] {strides = array<i32>} : memref<4x8x2048xf32, #tpu.memory_space<vmem>>, vector<16xf32>,
      %parallel_loop3A_663 = arith.cmpf olt, %parallel_loop3A_662, %parallel_loop3A_563 : vector<16xf32>
      %parallel_loop3A_664 = arith.select %parallel_loop3A_663, %parallel_loop3A_662, %parallel_loop3A_563 : vector<16xi1>, vector<16xf32>
      %parallel_loop3A_665 = arith.select %parallel_loop3A_663, %parallel_loop3A_577, %parallel_loop3A_571 : vector<16xi1>, vector<16xi32>
      scf.yield %parallel_loop3A_587, %parallel_loop3A_598, %parallel_loop3A_609, %parallel_loop3A_620, %parallel_loop3A_631, %parallel_loop3A_642, %parallel_loop3A_653, %parallel_loop3A_664, %parallel_loop3A_588, %parallel_loop3A_599, %parallel_loop3A_610, %parallel_loop3A_621, %parallel_loop3A_632, %parallel_loop3A_643, %parallel_loop3A_654, %parallel_loop3A_665 : vector<16xf32>, vector<16xf32>, vector<16xf32>, vector<16xf32>, vector<16xf32>, vector<16xf32>, vector<16xf32>, vector<16xf32>, vector<16xi32>, vector<16xi32>, vector<16xi32>, vector<16xi32>, vector<16xi32>, vector<16xi32>, vector<16xi32>, vector<16xi32>
    } {sc.loop_unroll_factor = 1 : i64, sc.parallel_access}
    %dma_wait3A_270 = arith.constant 3 : i32
    %dma_wait3A_271 = arith.constant 0 : i32
    %dma_wait3A_272 = arith.constant 0 : i32
    %dma_wait3A_273 = tpu.memref_slice %arg5[%dma_wait3A_270, %dma_wait3A_271, %dma_wait3A_272] : memref<4x8x2048xf32, #tpu.memory_space<vmem>> -> memref<1x8x2048xf32, #tpu.memory_space<vmem>>
    %dma_wait3A_274 = tpu.memref_squeeze %dma_wait3A_273 : memref<1x8x2048xf32, #tpu.memory_space<vmem>> -> memref<8x2048xf32, #tpu.memory_space<vmem>>
    %dma_wait3A_275 = tpu.memref_slice %arg2[%mul3A_30, %add3A_213] : memref<128x32768xf32, #tpu.memory_space<hbm>> -> memref<8x2048xf32, #tpu.memory_space<hbm>>
    %dma_wait3A_276 = arith.constant 0 : i32
    %dma_wait3A_277 = arith.constant 0 : i32
    %dma_wait3A_278 = tpu.memref_slice %arg5[%dma_wait3A_270, %dma_wait3A_276, %dma_wait3A_277] : memref<4x8x2048xf32, #tpu.memory_space<vmem>> -> memref<1x8x2048xf32, #tpu.memory_space<vmem>>
    %dma_wait3A_279 = tpu.memref_squeeze %dma_wait3A_278 : memref<1x8x2048xf32, #tpu.memory_space<vmem>> -> memref<8x2048xf32, #tpu.memory_space<vmem>>
    %dma_wait3A_280 = tpu.memref_slice %arg2[%mul3A_30, %add3A_213] : memref<128x32768xf32, #tpu.memory_space<hbm>> -> memref<8x2048xf32, #tpu.memory_space<hbm>>
    tpu.wait_dma2 semaphore(%arg11 : memref<!tpu.dma_semaphore, #tpu.memory_space<semaphore_mem>>) src(%dma_wait3A_280 : memref<8x2048xf32, #tpu.memory_space<hbm>>) dst(%dma_wait3A_279 : memref<8x2048xf32, #tpu.memory_space<vmem>>)
    %parallel_loop3A_281 = arith.constant 0 : i32
    %parallel_loop3A_282 = arith.constant 128 : i32
    %parallel_loop3A_283 = arith.constant 1 : i32
    %parallel_loop3A_284:16 = scf.for %parallel_loop3A_555 = %parallel_loop3A_281 to %parallel_loop3A_282 step %parallel_loop3A_283 iter_args(%parallel_loop3A_556 = %parallel_loop3A_269#0, %parallel_loop3A_557 = %parallel_loop3A_269#1, %parallel_loop3A_558 = %parallel_loop3A_269#2, %parallel_loop3A_559 = %parallel_loop3A_269#3, %parallel_loop3A_560 = %parallel_loop3A_269#4, %parallel_loop3A_561 = %parallel_loop3A_269#5, %parallel_loop3A_562 = %parallel_loop3A_269#6, %parallel_loop3A_563 = %parallel_loop3A_269#7, %parallel_loop3A_564 = %parallel_loop3A_269#8, %parallel_loop3A_565 = %parallel_loop3A_269#9, %parallel_loop3A_566 = %parallel_loop3A_269#10, %parallel_loop3A_567 = %parallel_loop3A_269#11, %parallel_loop3A_568 = %parallel_loop3A_269#12, %parallel_loop3A_569 = %parallel_loop3A_269#13, %parallel_loop3A_570 = %parallel_loop3A_269#14, %parallel_loop3A_571 = %parallel_loop3A_269#15) -> (vector<16xf32>, vector<16xf32>, vector<16xf32>, vector<16xf32>, vector<16xf32>, vector<16xf32>, vector<16xf32>, vector<16xf32>, vector<16xi32>, vector<16xi32>, vector<16xi32>, vector<16xi32>, vector<16xi32>, vector<16xi32>, vector<16xi32>, vector<16xi32>)  : i32 {
      %parallel_loop3A_572 = arith.constant 0 : i32
      %parallel_loop3A_573 = vector.broadcast %parallel_loop3A_572 : i32 to vector<16xi32>
      %parallel_loop3A_574 = arith.constant 896 : i32
      %parallel_loop3A_575 = arith.addi %parallel_loop3A_574, %parallel_loop3A_555 : i32
      %parallel_loop3A_576 = vector.broadcast %parallel_loop3A_575 : i32 to vector<16xi32>
      %parallel_loop3A_577 = arith.addi %parallel_loop3A_573, %parallel_loop3A_576 : vector<16xi32>
      %parallel_loop3A_578 = arith.constant 16 : i32
      %parallel_loop3A_579 = arith.muli %parallel_loop3A_555, %parallel_loop3A_578 : i32
      %parallel_loop3A_580 = arith.constant 3 : i32
      %parallel_loop3A_581 = arith.constant 0 : i32
      %parallel_loop3A_582 = arith.index_cast %parallel_loop3A_580 : i32 to index
      %parallel_loop3A_583 = arith.index_cast %parallel_loop3A_581 : i32 to index
      %parallel_loop3A_584 = arith.index_cast %parallel_loop3A_579 : i32 to index
      %parallel_loop3A_585 = tpu.vector_load %arg5[%parallel_loop3A_582, %parallel_loop3A_583, %parallel_loop3A_584] {strides = array<i32>} : memref<4x8x2048xf32, #tpu.memory_space<vmem>>, vector<16xf32>,
      %parallel_loop3A_586 = arith.cmpf olt, %parallel_loop3A_585, %parallel_loop3A_556 : vector<16xf32>
      %parallel_loop3A_587 = arith.select %parallel_loop3A_586, %parallel_loop3A_585, %parallel_loop3A_556 : vector<16xi1>, vector<16xf32>
      %parallel_loop3A_588 = arith.select %parallel_loop3A_586, %parallel_loop3A_577, %parallel_loop3A_564 : vector<16xi1>, vector<16xi32>
      %parallel_loop3A_589 = arith.constant 16 : i32
      %parallel_loop3A_590 = arith.muli %parallel_loop3A_555, %parallel_loop3A_589 : i32
      %parallel_loop3A_591 = arith.constant 3 : i32
      %parallel_loop3A_592 = arith.constant 1 : i32
      %parallel_loop3A_593 = arith.index_cast %parallel_loop3A_591 : i32 to index
      %parallel_loop3A_594 = arith.index_cast %parallel_loop3A_592 : i32 to index
      %parallel_loop3A_595 = arith.index_cast %parallel_loop3A_590 : i32 to index
      %parallel_loop3A_596 = tpu.vector_load %arg5[%parallel_loop3A_593, %parallel_loop3A_594, %parallel_loop3A_595] {strides = array<i32>} : memref<4x8x2048xf32, #tpu.memory_space<vmem>>, vector<16xf32>,
      %parallel_loop3A_597 = arith.cmpf olt, %parallel_loop3A_596, %parallel_loop3A_557 : vector<16xf32>
      %parallel_loop3A_598 = arith.select %parallel_loop3A_597, %parallel_loop3A_596, %parallel_loop3A_557 : vector<16xi1>, vector<16xf32>
      %parallel_loop3A_599 = arith.select %parallel_loop3A_597, %parallel_loop3A_577, %parallel_loop3A_565 : vector<16xi1>, vector<16xi32>
      %parallel_loop3A_600 = arith.constant 16 : i32
      %parallel_loop3A_601 = arith.muli %parallel_loop3A_555, %parallel_loop3A_600 : i32
      %parallel_loop3A_602 = arith.constant 3 : i32
      %parallel_loop3A_603 = arith.constant 2 : i32
      %parallel_loop3A_604 = arith.index_cast %parallel_loop3A_602 : i32 to index
      %parallel_loop3A_605 = arith.index_cast %parallel_loop3A_603 : i32 to index
      %parallel_loop3A_606 = arith.index_cast %parallel_loop3A_601 : i32 to index
      %parallel_loop3A_607 = tpu.vector_load %arg5[%parallel_loop3A_604, %parallel_loop3A_605, %parallel_loop3A_606] {strides = array<i32>} : memref<4x8x2048xf32, #tpu.memory_space<vmem>>, vector<16xf32>,
      %parallel_loop3A_608 = arith.cmpf olt, %parallel_loop3A_607, %parallel_loop3A_558 : vector<16xf32>
      %parallel_loop3A_609 = arith.select %parallel_loop3A_608, %parallel_loop3A_607, %parallel_loop3A_558 : vector<16xi1>, vector<16xf32>
      %parallel_loop3A_610 = arith.select %parallel_loop3A_608, %parallel_loop3A_577, %parallel_loop3A_566 : vector<16xi1>, vector<16xi32>
      %parallel_loop3A_611 = arith.constant 16 : i32
      %parallel_loop3A_612 = arith.muli %parallel_loop3A_555, %parallel_loop3A_611 : i32
      %parallel_loop3A_613 = arith.constant 3 : i32
      %parallel_loop3A_614 = arith.constant 3 : i32
      %parallel_loop3A_615 = arith.index_cast %parallel_loop3A_613 : i32 to index
      %parallel_loop3A_616 = arith.index_cast %parallel_loop3A_614 : i32 to index
      %parallel_loop3A_617 = arith.index_cast %parallel_loop3A_612 : i32 to index
      %parallel_loop3A_618 = tpu.vector_load %arg5[%parallel_loop3A_615, %parallel_loop3A_616, %parallel_loop3A_617] {strides = array<i32>} : memref<4x8x2048xf32, #tpu.memory_space<vmem>>, vector<16xf32>,
      %parallel_loop3A_619 = arith.cmpf olt, %parallel_loop3A_618, %parallel_loop3A_559 : vector<16xf32>
      %parallel_loop3A_620 = arith.select %parallel_loop3A_619, %parallel_loop3A_618, %parallel_loop3A_559 : vector<16xi1>, vector<16xf32>
      %parallel_loop3A_621 = arith.select %parallel_loop3A_619, %parallel_loop3A_577, %parallel_loop3A_567 : vector<16xi1>, vector<16xi32>
      %parallel_loop3A_622 = arith.constant 16 : i32
      %parallel_loop3A_623 = arith.muli %parallel_loop3A_555, %parallel_loop3A_622 : i32
      %parallel_loop3A_624 = arith.constant 3 : i32
      %parallel_loop3A_625 = arith.constant 4 : i32
      %parallel_loop3A_626 = arith.index_cast %parallel_loop3A_624 : i32 to index
      %parallel_loop3A_627 = arith.index_cast %parallel_loop3A_625 : i32 to index
      %parallel_loop3A_628 = arith.index_cast %parallel_loop3A_623 : i32 to index
      %parallel_loop3A_629 = tpu.vector_load %arg5[%parallel_loop3A_626, %parallel_loop3A_627, %parallel_loop3A_628] {strides = array<i32>} : memref<4x8x2048xf32, #tpu.memory_space<vmem>>, vector<16xf32>,
      %parallel_loop3A_630 = arith.cmpf olt, %parallel_loop3A_629, %parallel_loop3A_560 : vector<16xf32>
      %parallel_loop3A_631 = arith.select %parallel_loop3A_630, %parallel_loop3A_629, %parallel_loop3A_560 : vector<16xi1>, vector<16xf32>
      %parallel_loop3A_632 = arith.select %parallel_loop3A_630, %parallel_loop3A_577, %parallel_loop3A_568 : vector<16xi1>, vector<16xi32>
      %parallel_loop3A_633 = arith.constant 16 : i32
      %parallel_loop3A_634 = arith.muli %parallel_loop3A_555, %parallel_loop3A_633 : i32
      %parallel_loop3A_635 = arith.constant 3 : i32
      %parallel_loop3A_636 = arith.constant 5 : i32
      %parallel_loop3A_637 = arith.index_cast %parallel_loop3A_635 : i32 to index
      %parallel_loop3A_638 = arith.index_cast %parallel_loop3A_636 : i32 to index
      %parallel_loop3A_639 = arith.index_cast %parallel_loop3A_634 : i32 to index
      %parallel_loop3A_640 = tpu.vector_load %arg5[%parallel_loop3A_637, %parallel_loop3A_638, %parallel_loop3A_639] {strides = array<i32>} : memref<4x8x2048xf32, #tpu.memory_space<vmem>>, vector<16xf32>,
      %parallel_loop3A_641 = arith.cmpf olt, %parallel_loop3A_640, %parallel_loop3A_561 : vector<16xf32>
      %parallel_loop3A_642 = arith.select %parallel_loop3A_641, %parallel_loop3A_640, %parallel_loop3A_561 : vector<16xi1>, vector<16xf32>
      %parallel_loop3A_643 = arith.select %parallel_loop3A_641, %parallel_loop3A_577, %parallel_loop3A_569 : vector<16xi1>, vector<16xi32>
      %parallel_loop3A_644 = arith.constant 16 : i32
      %parallel_loop3A_645 = arith.muli %parallel_loop3A_555, %parallel_loop3A_644 : i32
      %parallel_loop3A_646 = arith.constant 3 : i32
      %parallel_loop3A_647 = arith.constant 6 : i32
      %parallel_loop3A_648 = arith.index_cast %parallel_loop3A_646 : i32 to index
      %parallel_loop3A_649 = arith.index_cast %parallel_loop3A_647 : i32 to index
      %parallel_loop3A_650 = arith.index_cast %parallel_loop3A_645 : i32 to index
      %parallel_loop3A_651 = tpu.vector_load %arg5[%parallel_loop3A_648, %parallel_loop3A_649, %parallel_loop3A_650] {strides = array<i32>} : memref<4x8x2048xf32, #tpu.memory_space<vmem>>, vector<16xf32>,
      %parallel_loop3A_652 = arith.cmpf olt, %parallel_loop3A_651, %parallel_loop3A_562 : vector<16xf32>
      %parallel_loop3A_653 = arith.select %parallel_loop3A_652, %parallel_loop3A_651, %parallel_loop3A_562 : vector<16xi1>, vector<16xf32>
      %parallel_loop3A_654 = arith.select %parallel_loop3A_652, %parallel_loop3A_577, %parallel_loop3A_570 : vector<16xi1>, vector<16xi32>
      %parallel_loop3A_655 = arith.constant 16 : i32
      %parallel_loop3A_656 = arith.muli %parallel_loop3A_555, %parallel_loop3A_655 : i32
      %parallel_loop3A_657 = arith.constant 3 : i32
      %parallel_loop3A_658 = arith.constant 7 : i32
      %parallel_loop3A_659 = arith.index_cast %parallel_loop3A_657 : i32 to index
      %parallel_loop3A_660 = arith.index_cast %parallel_loop3A_658 : i32 to index
      %parallel_loop3A_661 = arith.index_cast %parallel_loop3A_656 : i32 to index
      %parallel_loop3A_662 = tpu.vector_load %arg5[%parallel_loop3A_659, %parallel_loop3A_660, %parallel_loop3A_661] {strides = array<i32>} : memref<4x8x2048xf32, #tpu.memory_space<vmem>>, vector<16xf32>,
      %parallel_loop3A_663 = arith.cmpf olt, %parallel_loop3A_662, %parallel_loop3A_563 : vector<16xf32>
      %parallel_loop3A_664 = arith.select %parallel_loop3A_663, %parallel_loop3A_662, %parallel_loop3A_563 : vector<16xi1>, vector<16xf32>
      %parallel_loop3A_665 = arith.select %parallel_loop3A_663, %parallel_loop3A_577, %parallel_loop3A_571 : vector<16xi1>, vector<16xi32>
      scf.yield %parallel_loop3A_587, %parallel_loop3A_598, %parallel_loop3A_609, %parallel_loop3A_620, %parallel_loop3A_631, %parallel_loop3A_642, %parallel_loop3A_653, %parallel_loop3A_664, %parallel_loop3A_588, %parallel_loop3A_599, %parallel_loop3A_610, %parallel_loop3A_621, %parallel_loop3A_632, %parallel_loop3A_643, %parallel_loop3A_654, %parallel_loop3A_665 : vector<16xf32>, vector<16xf32>, vector<16xf32>, vector<16xf32>, vector<16xf32>, vector<16xf32>, vector<16xf32>, vector<16xf32>, vector<16xi32>, vector<16xi32>, vector<16xi32>, vector<16xi32>, vector<16xi32>, vector<16xi32>, vector<16xi32>, vector<16xi32>
    } {sc.loop_unroll_factor = 1 : i64, sc.parallel_access}
    %broadcast_in_dim3A_285 = arith.constant 0.000000e+00 : f32
    %broadcast_in_dim3A_286 = vector.broadcast %broadcast_in_dim3A_285 : f32 to vector<16xf32>
    %broadcast_in_dim3A_287 = arith.constant 0 : i32
    %broadcast_in_dim3A_288 = vector.broadcast %broadcast_in_dim3A_287 : i32 to vector<16xi32>
    %reduce_min3A = arith.constant true
    %reduce_min3A_289 = vector.broadcast %reduce_min3A : i1 to vector<16xi1>
    %reduce_min3A_290 = tpu.scan <min>, %parallel_loop3A_284#0 masked %reduce_min3A_289 : vector<16xf32>, vector<16xi1> -> vector<16xf32>
    %reduce_min3A_291 = vector.extract %reduce_min3A_290[15] : f32 from vector<16xf32>
    %mul3A_292 = arith.constant 16 : i32
    %mul3A_293 = vector.broadcast %mul3A_292 : i32 to vector<16xi32>
    %mul3A_294 = arith.muli %parallel_loop3A_284#8, %mul3A_293 : vector<16xi32>
    %add3A_295 = arith.addi %mul3A_294, %iota3A : vector<16xi32>
    %add3A_296 = vector.broadcast %mul3A_32 : i32 to vector<16xi32>
    %add3A_297 = arith.addi %add3A_295, %add3A_296 : vector<16xi32>
    %eq3A_298 = vector.broadcast %reduce_min3A_291 : f32 to vector<16xf32>
    %eq3A_299 = arith.cmpf oeq, %parallel_loop3A_284#0, %eq3A_298 : vector<16xf32>
    %jit3A_300 = arith.constant 2147483647 : i32
    %broadcast_in_dim3A_301 = vector.broadcast %jit3A_300 : i32 to vector<16xi32>
    %select_n3A_302 = arith.select %eq3A_299, %add3A_297, %broadcast_in_dim3A_301 : vector<16xi1>, vector<16xi32>
    %reduce_min3A_303 = arith.constant true
    %reduce_min3A_304 = vector.broadcast %reduce_min3A_303 : i1 to vector<16xi1>
    %reduce_min3A_305 = arith.constant -2147483648 : i32
    %reduce_min3A_306 = vector.broadcast %reduce_min3A_305 : i32 to vector<16xi32>
    %reduce_min3A_307 = arith.xori %select_n3A_302, %reduce_min3A_306 : vector<16xi32>
    %reduce_min3A_308 = tpu.scan <min>, %reduce_min3A_307 masked %reduce_min3A_304 : vector<16xi32>, vector<16xi1> -> vector<16xi32>
    %reduce_min3A_309 = arith.xori %reduce_min3A_308, %reduce_min3A_306 : vector<16xi32>
    %reduce_min3A_310 = vector.extract %reduce_min3A_309[15] : i32 from vector<16xi32>
    %eq3A_311 = arith.constant 0 : i32
    %eq3A_312 = vector.broadcast %eq3A_311 : i32 to vector<16xi32>
    %eq3A_313 = arith.cmpi eq, %iota3A, %eq3A_312 : vector<16xi32>
    %broadcast_in_dim3A_314 = vector.broadcast %reduce_min3A_291 : f32 to vector<16xf32>
    %select_n3A_315 = arith.select %eq3A_313, %broadcast_in_dim3A_314, %broadcast_in_dim3A_286 : vector<16xi1>, vector<16xf32>
    %eq3A_316 = arith.constant 0 : i32
    %eq3A_317 = vector.broadcast %eq3A_316 : i32 to vector<16xi32>
    %eq3A_318 = arith.cmpi eq, %iota3A, %eq3A_317 : vector<16xi32>
    %broadcast_in_dim3A_319 = vector.broadcast %reduce_min3A_310 : i32 to vector<16xi32>
    %select_n3A_320 = arith.select %eq3A_318, %broadcast_in_dim3A_319, %broadcast_in_dim3A_288 : vector<16xi1>, vector<16xi32>
    %reduce_min3A_321 = arith.constant true
    %reduce_min3A_322 = vector.broadcast %reduce_min3A_321 : i1 to vector<16xi1>
    %reduce_min3A_323 = tpu.scan <min>, %parallel_loop3A_284#1 masked %reduce_min3A_322 : vector<16xf32>, vector<16xi1> -> vector<16xf32>
    %reduce_min3A_324 = vector.extract %reduce_min3A_323[15] : f32 from vector<16xf32>
    %mul3A_325 = arith.constant 16 : i32
    %mul3A_326 = vector.broadcast %mul3A_325 : i32 to vector<16xi32>
    %mul3A_327 = arith.muli %parallel_loop3A_284#9, %mul3A_326 : vector<16xi32>
    %add3A_328 = arith.addi %mul3A_327, %iota3A : vector<16xi32>
    %add3A_329 = vector.broadcast %mul3A_32 : i32 to vector<16xi32>
    %add3A_330 = arith.addi %add3A_328, %add3A_329 : vector<16xi32>
    %eq3A_331 = vector.broadcast %reduce_min3A_324 : f32 to vector<16xf32>
    %eq3A_332 = arith.cmpf oeq, %parallel_loop3A_284#1, %eq3A_331 : vector<16xf32>
    %jit3A_333 = arith.constant 2147483647 : i32
    %broadcast_in_dim3A_334 = vector.broadcast %jit3A_333 : i32 to vector<16xi32>
    %select_n3A_335 = arith.select %eq3A_332, %add3A_330, %broadcast_in_dim3A_334 : vector<16xi1>, vector<16xi32>
    %reduce_min3A_336 = arith.constant true
    %reduce_min3A_337 = vector.broadcast %reduce_min3A_336 : i1 to vector<16xi1>
    %reduce_min3A_338 = arith.constant -2147483648 : i32
    %reduce_min3A_339 = vector.broadcast %reduce_min3A_338 : i32 to vector<16xi32>
    %reduce_min3A_340 = arith.xori %select_n3A_335, %reduce_min3A_339 : vector<16xi32>
    %reduce_min3A_341 = tpu.scan <min>, %reduce_min3A_340 masked %reduce_min3A_337 : vector<16xi32>, vector<16xi1> -> vector<16xi32>
    %reduce_min3A_342 = arith.xori %reduce_min3A_341, %reduce_min3A_339 : vector<16xi32>
    %reduce_min3A_343 = vector.extract %reduce_min3A_342[15] : i32 from vector<16xi32>
    %eq3A_344 = arith.constant 1 : i32
    %eq3A_345 = vector.broadcast %eq3A_344 : i32 to vector<16xi32>
    %eq3A_346 = arith.cmpi eq, %iota3A, %eq3A_345 : vector<16xi32>
    %broadcast_in_dim3A_347 = vector.broadcast %reduce_min3A_324 : f32 to vector<16xf32>
    %select_n3A_348 = arith.select %eq3A_346, %broadcast_in_dim3A_347, %select_n3A_315 : vector<16xi1>, vector<16xf32>
    %eq3A_349 = arith.constant 1 : i32
    %eq3A_350 = vector.broadcast %eq3A_349 : i32 to vector<16xi32>
    %eq3A_351 = arith.cmpi eq, %iota3A, %eq3A_350 : vector<16xi32>
    %broadcast_in_dim3A_352 = vector.broadcast %reduce_min3A_343 : i32 to vector<16xi32>
    %select_n3A_353 = arith.select %eq3A_351, %broadcast_in_dim3A_352, %select_n3A_320 : vector<16xi1>, vector<16xi32>
    %reduce_min3A_354 = arith.constant true
    %reduce_min3A_355 = vector.broadcast %reduce_min3A_354 : i1 to vector<16xi1>
    %reduce_min3A_356 = tpu.scan <min>, %parallel_loop3A_284#2 masked %reduce_min3A_355 : vector<16xf32>, vector<16xi1> -> vector<16xf32>
    %reduce_min3A_357 = vector.extract %reduce_min3A_356[15] : f32 from vector<16xf32>
    %mul3A_358 = arith.constant 16 : i32
    %mul3A_359 = vector.broadcast %mul3A_358 : i32 to vector<16xi32>
    %mul3A_360 = arith.muli %parallel_loop3A_284#10, %mul3A_359 : vector<16xi32>
    %add3A_361 = arith.addi %mul3A_360, %iota3A : vector<16xi32>
    %add3A_362 = vector.broadcast %mul3A_32 : i32 to vector<16xi32>
    %add3A_363 = arith.addi %add3A_361, %add3A_362 : vector<16xi32>
    %eq3A_364 = vector.broadcast %reduce_min3A_357 : f32 to vector<16xf32>
    %eq3A_365 = arith.cmpf oeq, %parallel_loop3A_284#2, %eq3A_364 : vector<16xf32>
    %jit3A_366 = arith.constant 2147483647 : i32
    %broadcast_in_dim3A_367 = vector.broadcast %jit3A_366 : i32 to vector<16xi32>
    %select_n3A_368 = arith.select %eq3A_365, %add3A_363, %broadcast_in_dim3A_367 : vector<16xi1>, vector<16xi32>
    %reduce_min3A_369 = arith.constant true
    %reduce_min3A_370 = vector.broadcast %reduce_min3A_369 : i1 to vector<16xi1>
    %reduce_min3A_371 = arith.constant -2147483648 : i32
    %reduce_min3A_372 = vector.broadcast %reduce_min3A_371 : i32 to vector<16xi32>
    %reduce_min3A_373 = arith.xori %select_n3A_368, %reduce_min3A_372 : vector<16xi32>
    %reduce_min3A_374 = tpu.scan <min>, %reduce_min3A_373 masked %reduce_min3A_370 : vector<16xi32>, vector<16xi1> -> vector<16xi32>
    %reduce_min3A_375 = arith.xori %reduce_min3A_374, %reduce_min3A_372 : vector<16xi32>
    %reduce_min3A_376 = vector.extract %reduce_min3A_375[15] : i32 from vector<16xi32>
    %eq3A_377 = arith.constant 2 : i32
    %eq3A_378 = vector.broadcast %eq3A_377 : i32 to vector<16xi32>
    %eq3A_379 = arith.cmpi eq, %iota3A, %eq3A_378 : vector<16xi32>
    %broadcast_in_dim3A_380 = vector.broadcast %reduce_min3A_357 : f32 to vector<16xf32>
    %select_n3A_381 = arith.select %eq3A_379, %broadcast_in_dim3A_380, %select_n3A_348 : vector<16xi1>, vector<16xf32>
    %eq3A_382 = arith.constant 2 : i32
    %eq3A_383 = vector.broadcast %eq3A_382 : i32 to vector<16xi32>
    %eq3A_384 = arith.cmpi eq, %iota3A, %eq3A_383 : vector<16xi32>
    %broadcast_in_dim3A_385 = vector.broadcast %reduce_min3A_376 : i32 to vector<16xi32>
    %select_n3A_386 = arith.select %eq3A_384, %broadcast_in_dim3A_385, %select_n3A_353 : vector<16xi1>, vector<16xi32>
    %reduce_min3A_387 = arith.constant true
    %reduce_min3A_388 = vector.broadcast %reduce_min3A_387 : i1 to vector<16xi1>
    %reduce_min3A_389 = tpu.scan <min>, %parallel_loop3A_284#3 masked %reduce_min3A_388 : vector<16xf32>, vector<16xi1> -> vector<16xf32>
    %reduce_min3A_390 = vector.extract %reduce_min3A_389[15] : f32 from vector<16xf32>
    %mul3A_391 = arith.constant 16 : i32
    %mul3A_392 = vector.broadcast %mul3A_391 : i32 to vector<16xi32>
    %mul3A_393 = arith.muli %parallel_loop3A_284#11, %mul3A_392 : vector<16xi32>
    %add3A_394 = arith.addi %mul3A_393, %iota3A : vector<16xi32>
    %add3A_395 = vector.broadcast %mul3A_32 : i32 to vector<16xi32>
    %add3A_396 = arith.addi %add3A_394, %add3A_395 : vector<16xi32>
    %eq3A_397 = vector.broadcast %reduce_min3A_390 : f32 to vector<16xf32>
    %eq3A_398 = arith.cmpf oeq, %parallel_loop3A_284#3, %eq3A_397 : vector<16xf32>
    %jit3A_399 = arith.constant 2147483647 : i32
    %broadcast_in_dim3A_400 = vector.broadcast %jit3A_399 : i32 to vector<16xi32>
    %select_n3A_401 = arith.select %eq3A_398, %add3A_396, %broadcast_in_dim3A_400 : vector<16xi1>, vector<16xi32>
    %reduce_min3A_402 = arith.constant true
    %reduce_min3A_403 = vector.broadcast %reduce_min3A_402 : i1 to vector<16xi1>
    %reduce_min3A_404 = arith.constant -2147483648 : i32
    %reduce_min3A_405 = vector.broadcast %reduce_min3A_404 : i32 to vector<16xi32>
    %reduce_min3A_406 = arith.xori %select_n3A_401, %reduce_min3A_405 : vector<16xi32>
    %reduce_min3A_407 = tpu.scan <min>, %reduce_min3A_406 masked %reduce_min3A_403 : vector<16xi32>, vector<16xi1> -> vector<16xi32>
    %reduce_min3A_408 = arith.xori %reduce_min3A_407, %reduce_min3A_405 : vector<16xi32>
    %reduce_min3A_409 = vector.extract %reduce_min3A_408[15] : i32 from vector<16xi32>
    %eq3A_410 = arith.constant 3 : i32
    %eq3A_411 = vector.broadcast %eq3A_410 : i32 to vector<16xi32>
    %eq3A_412 = arith.cmpi eq, %iota3A, %eq3A_411 : vector<16xi32>
    %broadcast_in_dim3A_413 = vector.broadcast %reduce_min3A_390 : f32 to vector<16xf32>
    %select_n3A_414 = arith.select %eq3A_412, %broadcast_in_dim3A_413, %select_n3A_381 : vector<16xi1>, vector<16xf32>
    %eq3A_415 = arith.constant 3 : i32
    %eq3A_416 = vector.broadcast %eq3A_415 : i32 to vector<16xi32>
    %eq3A_417 = arith.cmpi eq, %iota3A, %eq3A_416 : vector<16xi32>
    %broadcast_in_dim3A_418 = vector.broadcast %reduce_min3A_409 : i32 to vector<16xi32>
    %select_n3A_419 = arith.select %eq3A_417, %broadcast_in_dim3A_418, %select_n3A_386 : vector<16xi1>, vector<16xi32>
    %reduce_min3A_420 = arith.constant true
    %reduce_min3A_421 = vector.broadcast %reduce_min3A_420 : i1 to vector<16xi1>
    %reduce_min3A_422 = tpu.scan <min>, %parallel_loop3A_284#4 masked %reduce_min3A_421 : vector<16xf32>, vector<16xi1> -> vector<16xf32>
    %reduce_min3A_423 = vector.extract %reduce_min3A_422[15] : f32 from vector<16xf32>
    %mul3A_424 = arith.constant 16 : i32
    %mul3A_425 = vector.broadcast %mul3A_424 : i32 to vector<16xi32>
    %mul3A_426 = arith.muli %parallel_loop3A_284#12, %mul3A_425 : vector<16xi32>
    %add3A_427 = arith.addi %mul3A_426, %iota3A : vector<16xi32>
    %add3A_428 = vector.broadcast %mul3A_32 : i32 to vector<16xi32>
    %add3A_429 = arith.addi %add3A_427, %add3A_428 : vector<16xi32>
    %eq3A_430 = vector.broadcast %reduce_min3A_423 : f32 to vector<16xf32>
    %eq3A_431 = arith.cmpf oeq, %parallel_loop3A_284#4, %eq3A_430 : vector<16xf32>
    %jit3A_432 = arith.constant 2147483647 : i32
    %broadcast_in_dim3A_433 = vector.broadcast %jit3A_432 : i32 to vector<16xi32>
    %select_n3A_434 = arith.select %eq3A_431, %add3A_429, %broadcast_in_dim3A_433 : vector<16xi1>, vector<16xi32>
    %reduce_min3A_435 = arith.constant true
    %reduce_min3A_436 = vector.broadcast %reduce_min3A_435 : i1 to vector<16xi1>
    %reduce_min3A_437 = arith.constant -2147483648 : i32
    %reduce_min3A_438 = vector.broadcast %reduce_min3A_437 : i32 to vector<16xi32>
    %reduce_min3A_439 = arith.xori %select_n3A_434, %reduce_min3A_438 : vector<16xi32>
    %reduce_min3A_440 = tpu.scan <min>, %reduce_min3A_439 masked %reduce_min3A_436 : vector<16xi32>, vector<16xi1> -> vector<16xi32>
    %reduce_min3A_441 = arith.xori %reduce_min3A_440, %reduce_min3A_438 : vector<16xi32>
    %reduce_min3A_442 = vector.extract %reduce_min3A_441[15] : i32 from vector<16xi32>
    %eq3A_443 = arith.constant 4 : i32
    %eq3A_444 = vector.broadcast %eq3A_443 : i32 to vector<16xi32>
    %eq3A_445 = arith.cmpi eq, %iota3A, %eq3A_444 : vector<16xi32>
    %broadcast_in_dim3A_446 = vector.broadcast %reduce_min3A_423 : f32 to vector<16xf32>
    %select_n3A_447 = arith.select %eq3A_445, %broadcast_in_dim3A_446, %select_n3A_414 : vector<16xi1>, vector<16xf32>
    %eq3A_448 = arith.constant 4 : i32
    %eq3A_449 = vector.broadcast %eq3A_448 : i32 to vector<16xi32>
    %eq3A_450 = arith.cmpi eq, %iota3A, %eq3A_449 : vector<16xi32>
    %broadcast_in_dim3A_451 = vector.broadcast %reduce_min3A_442 : i32 to vector<16xi32>
    %select_n3A_452 = arith.select %eq3A_450, %broadcast_in_dim3A_451, %select_n3A_419 : vector<16xi1>, vector<16xi32>
    %reduce_min3A_453 = arith.constant true
    %reduce_min3A_454 = vector.broadcast %reduce_min3A_453 : i1 to vector<16xi1>
    %reduce_min3A_455 = tpu.scan <min>, %parallel_loop3A_284#5 masked %reduce_min3A_454 : vector<16xf32>, vector<16xi1> -> vector<16xf32>
    %reduce_min3A_456 = vector.extract %reduce_min3A_455[15] : f32 from vector<16xf32>
    %mul3A_457 = arith.constant 16 : i32
    %mul3A_458 = vector.broadcast %mul3A_457 : i32 to vector<16xi32>
    %mul3A_459 = arith.muli %parallel_loop3A_284#13, %mul3A_458 : vector<16xi32>
    %add3A_460 = arith.addi %mul3A_459, %iota3A : vector<16xi32>
    %add3A_461 = vector.broadcast %mul3A_32 : i32 to vector<16xi32>
    %add3A_462 = arith.addi %add3A_460, %add3A_461 : vector<16xi32>
    %eq3A_463 = vector.broadcast %reduce_min3A_456 : f32 to vector<16xf32>
    %eq3A_464 = arith.cmpf oeq, %parallel_loop3A_284#5, %eq3A_463 : vector<16xf32>
    %jit3A_465 = arith.constant 2147483647 : i32
    %broadcast_in_dim3A_466 = vector.broadcast %jit3A_465 : i32 to vector<16xi32>
    %select_n3A_467 = arith.select %eq3A_464, %add3A_462, %broadcast_in_dim3A_466 : vector<16xi1>, vector<16xi32>
    %reduce_min3A_468 = arith.constant true
    %reduce_min3A_469 = vector.broadcast %reduce_min3A_468 : i1 to vector<16xi1>
    %reduce_min3A_470 = arith.constant -2147483648 : i32
    %reduce_min3A_471 = vector.broadcast %reduce_min3A_470 : i32 to vector<16xi32>
    %reduce_min3A_472 = arith.xori %select_n3A_467, %reduce_min3A_471 : vector<16xi32>
    %reduce_min3A_473 = tpu.scan <min>, %reduce_min3A_472 masked %reduce_min3A_469 : vector<16xi32>, vector<16xi1> -> vector<16xi32>
    %reduce_min3A_474 = arith.xori %reduce_min3A_473, %reduce_min3A_471 : vector<16xi32>
    %reduce_min3A_475 = vector.extract %reduce_min3A_474[15] : i32 from vector<16xi32>
    %eq3A_476 = arith.constant 5 : i32
    %eq3A_477 = vector.broadcast %eq3A_476 : i32 to vector<16xi32>
    %eq3A_478 = arith.cmpi eq, %iota3A, %eq3A_477 : vector<16xi32>
    %broadcast_in_dim3A_479 = vector.broadcast %reduce_min3A_456 : f32 to vector<16xf32>
    %select_n3A_480 = arith.select %eq3A_478, %broadcast_in_dim3A_479, %select_n3A_447 : vector<16xi1>, vector<16xf32>
    %eq3A_481 = arith.constant 5 : i32
    %eq3A_482 = vector.broadcast %eq3A_481 : i32 to vector<16xi32>
    %eq3A_483 = arith.cmpi eq, %iota3A, %eq3A_482 : vector<16xi32>
    %broadcast_in_dim3A_484 = vector.broadcast %reduce_min3A_475 : i32 to vector<16xi32>
    %select_n3A_485 = arith.select %eq3A_483, %broadcast_in_dim3A_484, %select_n3A_452 : vector<16xi1>, vector<16xi32>
    %reduce_min3A_486 = arith.constant true
    %reduce_min3A_487 = vector.broadcast %reduce_min3A_486 : i1 to vector<16xi1>
    %reduce_min3A_488 = tpu.scan <min>, %parallel_loop3A_284#6 masked %reduce_min3A_487 : vector<16xf32>, vector<16xi1> -> vector<16xf32>
    %reduce_min3A_489 = vector.extract %reduce_min3A_488[15] : f32 from vector<16xf32>
    %mul3A_490 = arith.constant 16 : i32
    %mul3A_491 = vector.broadcast %mul3A_490 : i32 to vector<16xi32>
    %mul3A_492 = arith.muli %parallel_loop3A_284#14, %mul3A_491 : vector<16xi32>
    %add3A_493 = arith.addi %mul3A_492, %iota3A : vector<16xi32>
    %add3A_494 = vector.broadcast %mul3A_32 : i32 to vector<16xi32>
    %add3A_495 = arith.addi %add3A_493, %add3A_494 : vector<16xi32>
    %eq3A_496 = vector.broadcast %reduce_min3A_489 : f32 to vector<16xf32>
    %eq3A_497 = arith.cmpf oeq, %parallel_loop3A_284#6, %eq3A_496 : vector<16xf32>
    %jit3A_498 = arith.constant 2147483647 : i32
    %broadcast_in_dim3A_499 = vector.broadcast %jit3A_498 : i32 to vector<16xi32>
    %select_n3A_500 = arith.select %eq3A_497, %add3A_495, %broadcast_in_dim3A_499 : vector<16xi1>, vector<16xi32>
    %reduce_min3A_501 = arith.constant true
    %reduce_min3A_502 = vector.broadcast %reduce_min3A_501 : i1 to vector<16xi1>
    %reduce_min3A_503 = arith.constant -2147483648 : i32
    %reduce_min3A_504 = vector.broadcast %reduce_min3A_503 : i32 to vector<16xi32>
    %reduce_min3A_505 = arith.xori %select_n3A_500, %reduce_min3A_504 : vector<16xi32>
    %reduce_min3A_506 = tpu.scan <min>, %reduce_min3A_505 masked %reduce_min3A_502 : vector<16xi32>, vector<16xi1> -> vector<16xi32>
    %reduce_min3A_507 = arith.xori %reduce_min3A_506, %reduce_min3A_504 : vector<16xi32>
    %reduce_min3A_508 = vector.extract %reduce_min3A_507[15] : i32 from vector<16xi32>
    %eq3A_509 = arith.constant 6 : i32
    %eq3A_510 = vector.broadcast %eq3A_509 : i32 to vector<16xi32>
    %eq3A_511 = arith.cmpi eq, %iota3A, %eq3A_510 : vector<16xi32>
    %broadcast_in_dim3A_512 = vector.broadcast %reduce_min3A_489 : f32 to vector<16xf32>
    %select_n3A_513 = arith.select %eq3A_511, %broadcast_in_dim3A_512, %select_n3A_480 : vector<16xi1>, vector<16xf32>
    %eq3A_514 = arith.constant 6 : i32
    %eq3A_515 = vector.broadcast %eq3A_514 : i32 to vector<16xi32>
    %eq3A_516 = arith.cmpi eq, %iota3A, %eq3A_515 : vector<16xi32>
    %broadcast_in_dim3A_517 = vector.broadcast %reduce_min3A_508 : i32 to vector<16xi32>
    %select_n3A_518 = arith.select %eq3A_516, %broadcast_in_dim3A_517, %select_n3A_485 : vector<16xi1>, vector<16xi32>
    %reduce_min3A_519 = arith.constant true
    %reduce_min3A_520 = vector.broadcast %reduce_min3A_519 : i1 to vector<16xi1>
    %reduce_min3A_521 = tpu.scan <min>, %parallel_loop3A_284#7 masked %reduce_min3A_520 : vector<16xf32>, vector<16xi1> -> vector<16xf32>
    %reduce_min3A_522 = vector.extract %reduce_min3A_521[15] : f32 from vector<16xf32>
    %mul3A_523 = arith.constant 16 : i32
    %mul3A_524 = vector.broadcast %mul3A_523 : i32 to vector<16xi32>
    %mul3A_525 = arith.muli %parallel_loop3A_284#15, %mul3A_524 : vector<16xi32>
    %add3A_526 = arith.addi %mul3A_525, %iota3A : vector<16xi32>
    %add3A_527 = vector.broadcast %mul3A_32 : i32 to vector<16xi32>
    %add3A_528 = arith.addi %add3A_526, %add3A_527 : vector<16xi32>
    %eq3A_529 = vector.broadcast %reduce_min3A_522 : f32 to vector<16xf32>
    %eq3A_530 = arith.cmpf oeq, %parallel_loop3A_284#7, %eq3A_529 : vector<16xf32>
    %jit3A_531 = arith.constant 2147483647 : i32
    %broadcast_in_dim3A_532 = vector.broadcast %jit3A_531 : i32 to vector<16xi32>
    %select_n3A_533 = arith.select %eq3A_530, %add3A_528, %broadcast_in_dim3A_532 : vector<16xi1>, vector<16xi32>
    %reduce_min3A_534 = arith.constant true
    %reduce_min3A_535 = vector.broadcast %reduce_min3A_534 : i1 to vector<16xi1>
    %reduce_min3A_536 = arith.constant -2147483648 : i32
    %reduce_min3A_537 = vector.broadcast %reduce_min3A_536 : i32 to vector<16xi32>
    %reduce_min3A_538 = arith.xori %select_n3A_533, %reduce_min3A_537 : vector<16xi32>
    %reduce_min3A_539 = tpu.scan <min>, %reduce_min3A_538 masked %reduce_min3A_535 : vector<16xi32>, vector<16xi1> -> vector<16xi32>
    %reduce_min3A_540 = arith.xori %reduce_min3A_539, %reduce_min3A_537 : vector<16xi32>
    %reduce_min3A_541 = vector.extract %reduce_min3A_540[15] : i32 from vector<16xi32>
    %eq3A_542 = arith.constant 7 : i32
    %eq3A_543 = vector.broadcast %eq3A_542 : i32 to vector<16xi32>
    %eq3A_544 = arith.cmpi eq, %iota3A, %eq3A_543 : vector<16xi32>
    %broadcast_in_dim3A_545 = vector.broadcast %reduce_min3A_522 : f32 to vector<16xf32>
    %select_n3A_546 = arith.select %eq3A_544, %broadcast_in_dim3A_545, %select_n3A_513 : vector<16xi1>, vector<16xf32>
    %eq3A_547 = arith.constant 7 : i32
    %eq3A_548 = vector.broadcast %eq3A_547 : i32 to vector<16xi32>
    %eq3A_549 = arith.cmpi eq, %iota3A, %eq3A_548 : vector<16xi32>
    %broadcast_in_dim3A_550 = vector.broadcast %reduce_min3A_541 : i32 to vector<16xi32>
    %select_n3A_551 = arith.select %eq3A_549, %broadcast_in_dim3A_550, %select_n3A_518 : vector<16xi1>, vector<16xi32>
    %swap3A = arith.constant 0 : index
    %swap3A_552 = tpu.vector_load %arg6[%swap3A] {strides = array<i32>} : memref<16xf32, #tpu.memory_space<vmem>>, vector<16xf32>,
    tpu.vector_store %arg6[%swap3A], %select_n3A_546 {strides = array<i32>} : memref<16xf32, #tpu.memory_space<vmem>>, vector<16xf32>,
    %swap3A_553 = arith.constant 0 : index
    %swap3A_554 = tpu.vector_load %arg7[%swap3A_553] {strides = array<i32>} : memref<16xi32, #tpu.memory_space<vmem>>, vector<16xi32>,
    tpu.vector_store %arg7[%swap3A_553], %select_n3A_551 {strides = array<i32>} : memref<16xi32, #tpu.memory_space<vmem>>, vector<16xi32>,
    "tpu.region"() ({
      %run_scoped3A = tpu.sem_alloc : memref<!tpu.dma_semaphore, #tpu.memory_space<semaphore_mem>>
      %dma_start3A_555 = arith.constant 0 : i32
      %dma_start3A_556 = tpu.memref_slice %arg3[%add3A, %dma_start3A_555] : memref<16x16xf32, #tpu.memory_space<hbm>> -> memref<1x16xf32, #tpu.memory_space<hbm>>
      %dma_start3A_557 = tpu.memref_squeeze %dma_start3A_556 : memref<1x16xf32, #tpu.memory_space<hbm>> -> memref<16xf32, #tpu.memory_space<hbm>>
      %dma_start3A_558 = arith.constant 0 : i32
      %dma_start3A_559 = tpu.memref_slice %arg3[%add3A, %dma_start3A_558] : memref<16x16xf32, #tpu.memory_space<hbm>> -> memref<1x16xf32, #tpu.memory_space<hbm>>
      %dma_start3A_560 = tpu.memref_squeeze %dma_start3A_559 : memref<1x16xf32, #tpu.memory_space<hbm>> -> memref<16xf32, #tpu.memory_space<hbm>>
      tpu.enqueue_dma source(%arg6 : memref<16xf32, #tpu.memory_space<vmem>>) target(%dma_start3A_560 : memref<16xf32, #tpu.memory_space<hbm>>) target_semaphore(%run_scoped3A : memref<!tpu.dma_semaphore, #tpu.memory_space<semaphore_mem>>)
      %dma_wait3A_561 = arith.constant 0 : i32
      %dma_wait3A_562 = tpu.memref_slice %arg3[%add3A, %dma_wait3A_561] : memref<16x16xf32, #tpu.memory_space<hbm>> -> memref<1x16xf32, #tpu.memory_space<hbm>>
      %dma_wait3A_563 = tpu.memref_squeeze %dma_wait3A_562 : memref<1x16xf32, #tpu.memory_space<hbm>> -> memref<16xf32, #tpu.memory_space<hbm>>
      %dma_wait3A_564 = arith.constant 0 : i32
      %dma_wait3A_565 = tpu.memref_slice %arg3[%add3A, %dma_wait3A_564] : memref<16x16xf32, #tpu.memory_space<hbm>> -> memref<1x16xf32, #tpu.memory_space<hbm>>
      %dma_wait3A_566 = tpu.memref_squeeze %dma_wait3A_565 : memref<1x16xf32, #tpu.memory_space<hbm>> -> memref<16xf32, #tpu.memory_space<hbm>>
      tpu.wait_dma2 semaphore(%run_scoped3A : memref<!tpu.dma_semaphore, #tpu.memory_space<semaphore_mem>>) src(%arg6 : memref<16xf32, #tpu.memory_space<vmem>>) dst(%dma_wait3A_566 : memref<16xf32, #tpu.memory_space<hbm>>)
      tpu.yield
    }) : () -> ()
    "tpu.region"() ({
      %run_scoped3A = tpu.sem_alloc : memref<!tpu.dma_semaphore, #tpu.memory_space<semaphore_mem>>
      %dma_start3A_555 = arith.constant 0 : i32
      %dma_start3A_556 = tpu.memref_slice %arg4[%add3A, %dma_start3A_555] : memref<16x16xi32, #tpu.memory_space<hbm>> -> memref<1x16xi32, #tpu.memory_space<hbm>>
      %dma_start3A_557 = tpu.memref_squeeze %dma_start3A_556 : memref<1x16xi32, #tpu.memory_space<hbm>> -> memref<16xi32, #tpu.memory_space<hbm>>
      %dma_start3A_558 = arith.constant 0 : i32
      %dma_start3A_559 = tpu.memref_slice %arg4[%add3A, %dma_start3A_558] : memref<16x16xi32, #tpu.memory_space<hbm>> -> memref<1x16xi32, #tpu.memory_space<hbm>>
      %dma_start3A_560 = tpu.memref_squeeze %dma_start3A_559 : memref<1x16xi32, #tpu.memory_space<hbm>> -> memref<16xi32, #tpu.memory_space<hbm>>
      tpu.enqueue_dma source(%arg7 : memref<16xi32, #tpu.memory_space<vmem>>) target(%dma_start3A_560 : memref<16xi32, #tpu.memory_space<hbm>>) target_semaphore(%run_scoped3A : memref<!tpu.dma_semaphore, #tpu.memory_space<semaphore_mem>>)
      %dma_wait3A_561 = arith.constant 0 : i32
      %dma_wait3A_562 = tpu.memref_slice %arg4[%add3A, %dma_wait3A_561] : memref<16x16xi32, #tpu.memory_space<hbm>> -> memref<1x16xi32, #tpu.memory_space<hbm>>
      %dma_wait3A_563 = tpu.memref_squeeze %dma_wait3A_562 : memref<1x16xi32, #tpu.memory_space<hbm>> -> memref<16xi32, #tpu.memory_space<hbm>>
      %dma_wait3A_564 = arith.constant 0 : i32
      %dma_wait3A_565 = tpu.memref_slice %arg4[%add3A, %dma_wait3A_564] : memref<16x16xi32, #tpu.memory_space<hbm>> -> memref<1x16xi32, #tpu.memory_space<hbm>>
      %dma_wait3A_566 = tpu.memref_squeeze %dma_wait3A_565 : memref<1x16xi32, #tpu.memory_space<hbm>> -> memref<16xi32, #tpu.memory_space<hbm>>
      tpu.wait_dma2 semaphore(%run_scoped3A : memref<!tpu.dma_semaphore, #tpu.memory_space<semaphore_mem>>) src(%arg7 : memref<16xi32, #tpu.memory_space<vmem>>) dst(%dma_wait3A_566 : memref<16xi32, #tpu.memory_space<hbm>>)
      tpu.yield
    }) : () -> ()
    return
  }
}

module attributes {stable_mosaic.version = 14 : i64} {
  func.func @_tc_body(%arg0: i32, %arg1: memref<8x32768xf32, #tpu.memory_space<vmem>>, %arg2: memref<8x128xi32, #tpu.memory_space<vmem>>) attributes {dimension_semantics = [#tpu.dimension_semantics<arbitrary>], iteration_bounds = array<i64: 8>, scalar_prefetch = 0 : i64, scratch_operands = 0 : i64, tpu.core_type = #tpu.core_type<tc>, window_params = [{transform_indices = @transform_0, window_bounds = array<i64: 8, 32768>}, {transform_indices = @transform_1, window_bounds = array<i64: 8, 128>}]} {
    %get3A = arith.constant 0 : index
    %get3A_0 = arith.constant 0 : index
    %get3A_1 = vector.load %arg1[%get3A, %get3A_0] : memref<8x32768xf32, #tpu.memory_space<vmem>>, vector<8x32768xf32>
    %reduce_min3A = arith.constant dense<0x7F800000> : vector<8xf32>
    %reduce_min3A_2 = vector.multi_reduction <minimumf>, %get3A_1, %reduce_min3A [1] : vector<8x32768xf32> to vector<8xf32>
    %broadcast_in_dim3A = vector.shape_cast %reduce_min3A_2 : vector<8xf32> to vector<8x1xf32>
    %iota3A = tpu.iota {dimensions = array<i32: 1>} : vector<8x32768xi32>
    %eq3A = vector.broadcast %broadcast_in_dim3A : vector<8x1xf32> to vector<8x32768xf32>
    %eq3A_3 = arith.cmpf oeq, %get3A_1, %eq3A : vector<8x32768xf32>
    %jit3A = arith.constant 2147483647 : i32
    %broadcast_in_dim3A_4 = vector.broadcast %jit3A : i32 to vector<8x32768xi32>
    %select_n3A = arith.select %eq3A_3, %iota3A, %broadcast_in_dim3A_4 : vector<8x32768xi1>, vector<8x32768xi32>
    %reduce_min3A_5 = arith.constant dense<2147483647> : vector<8xi32>
    %reduce_min3A_6 = vector.multi_reduction <minsi>, %select_n3A, %reduce_min3A_5 [1] : vector<8x32768xi32> to vector<8xi32>
    %broadcast_in_dim3A_7 = vector.shape_cast %reduce_min3A_6 : vector<8xi32> to vector<8x1xi32>
    %broadcast_in_dim3A_8 = vector.shape_cast %broadcast_in_dim3A_7 : vector<8x1xi32> to vector<8x1xi32>
    %broadcast_in_dim3A_9 = vector.broadcast %broadcast_in_dim3A_8 : vector<8x1xi32> to vector<8x128xi32>
    %swap3A = arith.constant 0 : index
    %swap3A_10 = arith.constant 0 : index
    %swap3A_11 = vector.load %arg2[%swap3A, %swap3A_10] : memref<8x128xi32, #tpu.memory_space<vmem>>, vector<8x128xi32>
    tpu.vector_store %arg2[%swap3A, %swap3A_10], %broadcast_in_dim3A_9 {strides = array<i32>} : memref<8x128xi32, #tpu.memory_space<vmem>>, vector<8x128xi32>,
    return
  }
  func.func @transform_0(%arg0: i32) -> (i32, i32) {
    %add3A = arith.constant 8 : i32
    %add3A_0 = arith.addi %arg0, %add3A : i32
    %c0_i32 = arith.constant 0 : i32
    %c0_i32_1 = arith.constant 0 : i32
    return %add3A_0, %c0_i32 : i32, i32
  }
  func.func @transform_1(%arg0: i32) -> (i32, i32) {
    %c0_i32 = arith.constant 0 : i32
    %c0_i32_0 = arith.constant 0 : i32
    return %arg0, %c0_i32 : i32, i32
  }
}

</mosaic_0001>

<sc_bundles>
// kernel: kernel.4.cloned.1.call-start
scs
__scs_entry_jumppad:
0x0: {  	(pc) =	sbr.rel $0x88, $3  }
0x1: {  	(tag) =	ssettag $0x0;
	lr =	simm.s32 $0x1  }
0x2: {  	[smem:$0x3FA0] =	sst lr;
	_ =	strace $0xD0000000  }
0x3: {  	_ = 	snop  }
0x4: {  	_ = 	snop  }
0x5: {  	_ = 	snop  }
0x6: {  	_ = 	snop  }
0x7: {  	_ = 	snop  }
__scs_overlays_trampoline_lowered:
0x8: {  	[smem:$0x3FAF] =	sst s0  }
0x9: {  	[smem:$0x3FB0] =	sst s1  }
0xa: {  	[smem:$0x3FB1] =	sst s2  }
0xb: {  	[smem:$0x3FB2] =	sst s3  }
0xc: {  	[smem:$0x3FB3] =	sst s4  }
0xd: {  	[smem:$0x3FB4] =	sst s5  }
0xe: {  	[smem:$0x3FB5] =	sst s6  }
0xf: {  	[smem:$0x3FB6] =	sst s7  }
0x10: {  	[smem:$0x3FB7] =	sst s8  }
0x11: {  	[smem:$0x3FB8] =	sst s9;
	s0 =	simm.s32 @!p0 $0x0  }
0x12: {  	s1 =	sld [smem:$0x3F9E];
	s0 =	simm.s32 @p0 $0x1  }
0x13: {  	[smem:$0x3FB9] =	sst s0;
	s0 =	simm.s32 @!p1 $0x0  }
0x14: {  	s2 =	sld [smem:$0x3F9D];
	s0 =	simm.s32 @p1 $0x1  }
0x15: {  	[smem:$0x3FBA] =	sst s0;
	s0 =	simm.s32 @!p2 $0x0  }
0x16: {  	s3 =	sld [smem:$0x3FDB];
	s0 =	simm.s32 @p2 $0x1  }
0x17: {  	s4 =	simm.s32 $0x1BF5;
	[smem:$0x3FBC] =	sst s0  }
0x18: {  	s0 =	sld [smem:$0x3F9F];
	_ =	swait.ge [sflag:s4], $0x0  }
0x19: {  	s7 =	sld [smem:$0x3FA0]  }
0x1a: {  	s8 =	sadd.s32 $0xFFFFE003, lr  }
0x1b: {  	s9 =	sadd.s32 $0xFFFFFEF7, lr;
	s5 =	simm.s32 $0xFFFFFFFF;
	p2 =	slt.u32 s8, $0xFFFFF086  }
0x1c: {  	p1 =	slt.u32 s9, $0xF7A;
	s5 =	simm.s32 @!p2 $0x0  }
0x1d: {  	s5 =	simm.s32 @p1 $0x1;
	p0 =	seq.s32 s7, s2  }
0x1e: {  	s7 =	smul.u32 @!p0 $0xF7A, s2;
	p2 =	seq.s32 @!p0 s5, $0x0  }
0x1f: {  	s9 =	smul.u32 $0xF7A, s1;
	s8 =	simm.s32 @!p0 $0x1BF5;
	p2 =	por !p2, p0  }
0x20: {  	[sflag:s8] =	ssyncset.s32 @!p0 $0xFFFFF086;
	s6 =	sadd.s32 @!p0 s3, s7;
	s7 =	simm.s32 @!p0 $0x108  }
0x21: {  	s3 =	sadd.s32 s3, s9;
	s6 =	sadd.s32 @!p0 $0x88, s6;
	s7 =	simm.s32 @p2 $0x1082  }
0x22: {  	[simem:s7], [sflag:s8] =	dma.local @!p0 [hbm:s6], $0xF7A  }
0x23: {  	s9 =	sor.u32 $0xD0000000, s2;
	s6 =	simm.s32 $0x108;
	_ =	swait.ge @!p0 [sflag:s8], $0x0  }
0x24: {  	s3 =	sadd.s32 $0x88, s3;
	s6 =	simm.s32 @!p1 $0x1082;
	[sflag:s4] =	ssyncset.s32 $0xFFFFF086  }
0x25: {  	[simem:s6], [sflag:s4] =	dma.local [hbm:s3], $0xF7A  }
0x26: {  	[smem:$0x3FA0] =	sst s1;
	(tag) =	ssettag s2;
	_ =	strace s9  }
0x27: {  	s1 =	sld [smem:$0x3FB0]  }
0x28: {  	s2 =	sld [smem:$0x3FB1]  }
0x29: {  	s4 =	sld [smem:$0x3FB3]  }
0x2a: {  	p0 =	seq.s32 s5, $0x0;
	s5 =	sld [smem:$0x3FB4]  }
0x2b: {  	s6 =	sld [smem:$0x3FB5]  }
0x2c: {  	s7 =	sld [smem:$0x3FB6]  }
0x2d: {  	s3 =	simm.s32 $0x108;
	s8 =	sld [smem:$0x3FB7]  }
0x2e: {  	s3 =	simm.s32 @!p0 $0x1082;
	s9 =	sld [smem:$0x3FB8]  }
0x2f: {  	lr =	sadd.s32 s0, s3;
	s0 =	sld [smem:$0x3FAF]  }
0x30: {  	s3 =	sld [smem:$0x3FB2]  }
0x31: {  	[smem:$0x3FBB] =	sst s10  }
0x32: {  	s10 =	sld [smem:$0x3FB9];
	_ =	sdelay $0x3  }
0x33: {  	p0 =	seq.s32 s10, $0x1;
	s10 =	sld [smem:$0x3FBB];
	_ =	sdelay $0x3  }
0x34: {  	[smem:$0x3FBB] =	sst s10  }
0x35: {  	s10 =	sld [smem:$0x3FBA];
	_ =	sdelay $0x3  }
0x36: {  	p1 =	seq.s32 s10, $0x1;
	s10 =	sld [smem:$0x3FBB];
	_ =	sdelay $0x3  }
0x37: {  	[smem:$0x3FBB] =	sst s10  }
0x38: {  	s10 =	sld [smem:$0x3FBC]  }
0x39: {  	_ = 	snop;
	(pc) =	sbr.ind lr, $3  }
0x3a: {  	_ = 	snop  }
0x3b: {  	_ = 	snop  }
0x3c: {  	p2 =	seq.s32 s10, $0x1;
	s10 =	sld [smem:$0x3FBB]  }
0x3d: {  	_ =	shalt  }
0x3e: {  	_ =	shalt  }
0x3f: {  	_ =	shalt  }
0x40: {  	_ =	shalt  }
0x41: {  	_ =	shalt  }
0x42: {  	_ =	shalt  }
0x43: {  	_ =	shalt  }
0x44: {  	_ =	shalt  }
0x45: {  	_ =	shalt  }
0x46: {  	_ =	shalt  }
0x47: {  	_ =	shalt  }
0x48: {  	_ =	shalt  }
0x49: {  	_ =	shalt  }
0x4a: {  	_ =	shalt  }
0x4b: {  	_ =	shalt  }
0x4c: {  	_ =	shalt  }
0x4d: {  	_ =	shalt  }
0x4e: {  	_ =	shalt  }
0x4f: {  	_ =	shalt  }
0x50: {  	_ =	shalt  }
0x51: {  	_ =	shalt  }
0x52: {  	_ =	shalt  }
0x53: {  	_ =	shalt  }
0x54: {  	_ =	shalt  }
0x55: {  	_ =	shalt  }
0x56: {  	_ =	shalt  }
0x57: {  	_ =	shalt  }
0x58: {  	_ =	shalt  }
0x59: {  	_ =	shalt  }
0x5a: {  	_ =	shalt  }
0x5b: {  	_ =	shalt  }
0x5c: {  	_ =	shalt  }
0x5d: {  	_ =	shalt  }
0x5e: {  	_ =	shalt  }
0x5f: {  	_ =	shalt  }
0x60: {  	_ =	shalt  }
0x61: {  	_ =	shalt  }
0x62: {  	_ =	shalt  }
0x63: {  	_ =	shalt  }
0x64: {  	_ =	shalt  }
0x65: {  	_ =	shalt  }
0x66: {  	_ =	shalt  }
0x67: {  	_ =	shalt  }
0x68: {  	_ =	shalt  }
0x69: {  	_ =	shalt  }
0x6a: {  	_ =	shalt  }
0x6b: {  	_ =	shalt  }
0x6c: {  	_ =	shalt  }
0x6d: {  	_ =	shalt  }
0x6e: {  	_ =	shalt  }
0x6f: {  	_ =	shalt  }
0x70: {  	_ =	shalt  }
0x71: {  	_ =	shalt  }
0x72: {  	_ =	shalt  }
0x73: {  	_ =	shalt  }
0x74: {  	_ =	shalt  }
0x75: {  	_ =	shalt  }
0x76: {  	_ =	shalt  }
0x77: {  	_ =	shalt  }
0x78: {  	_ =	shalt  }
0x79: {  	_ =	shalt  }
0x7a: {  	_ =	shalt  }
0x7b: {  	_ =	shalt  }
0x7c: {  	_ =	shalt  }
0x7d: {  	_ =	shalt  }
0x7e: {  	_ =	shalt  }
0x7f: {  	_ =	shalt  }
0x80: {  	_ =	shalt  }
0x81: {  	_ =	shalt  }
0x82: {  	_ =	shalt  }
0x83: {  	_ =	shalt  }
0x84: {  	_ =	shalt  }
0x85: {  	_ =	shalt  }
0x86: {  	_ =	shalt  }
0x87: {  	_ =	shalt  }
.Lfunc_end0:
.L_simem_size_0:
called_computation_lowered:
.L_overlay_start_0:
0x88: {  	s0 =	sld [smem:$0x3FD9]  }
0x89: {  	s1 =	sld [smem:$0x3FFE];
	_ =	sdelay $0x3  }
0x8a: {  	s0 =	sadd.s32 s1, s0  }
0x8b: {  	[smem:$0x3FC7] =	sst s0  }
0x8c: {  	_ = 	snop  }
0x8d: {  	s0 =	sld [smem:$0x3FC9];
	(tm) =	ssettm $0x1  }
0x8e: {  	s16 =	sld [smem:$0x3FFB];
	_ =	sdelay $0x3  }
0x8f: {  	_ =	strace s16  }
0x90: {  	s1 =	sld [smem:$0x3FFC];
	_ =	sdelay $0x3  }
0x91: {  	_ =	strace s1  }
0x92: {  	s1 =	sld [smem:$0x3FFD];
	_ =	sdelay $0x3  }
0x93: {  	_ =	strace s1  }
0x94: {  	_ =	strace $0x8FFFFFFF  }
0x95: {  	s17 =	sld [smem:$0x3FDB];
	_ =	sdelay $0x1  }
0x96: {  	s2 =	simm.s32 $_scs_section_size  }
0x97: {  	s3 =	simm.s32 $_size__tile_overlayer_lowered;
	s4 =	simm.s32 $_tile_overlayer_lowered  }
0x98: {  	s20 =	simm.s32 $0x1BFF;
	s19 =	sshll.u32 s4, $0x1;
	s1 =	sadd.s32 s2, s17  }
0x99: {  	s5 =	simm.s32 $0x0;
	s18 =	sshll.u32 s3, $0x1;
	s3 =	sadd.s32 s19, s1  }
0x9a: {  	[timem:s5], [sflag:s20] =	dma.local [hbm:s3], s18  }
0x9b: {  	_ =	swait.ge [sflag:s20], s18  }
0x9c: {  	s2 =	ssub.s32 $0x0, s18;
	[sflag:s20] =	ssyncset.done $0x0  }
0x9d: {  	[sflag:s20] =	ssyncadd.s32 s2;
	_ =	sdelay $0x1  }
0x9e: {  	s21 =	simm.s32 $0x1B8B  }
0x9f: {  	_ =	swait.ge [sflag:s21], $0x1  }
0xa0: {  	[sflag:s21] =	ssyncset.done $0x0  }
0xa1: {  	s23 =	simm.s32 $0x1B8E;
	s22 =	sld [smem:$0x3FFE];
	[sflag:s21] =	ssyncadd.s32 $0xFFFFFFFF  }
0xa2: {  	s24 =	simm.s32 $execute0_lowered;
	[smem:$0x3FD2] =	sst s23  }
0xa3: {  	s3 =	sshll.u32 s24, $0x1;
	_ =	strace $0x80000046;
	[dreg:$0x1] =	wrdreg $0xFFFFFFFF  }
0xa4: {  	s25 =	simm.s32 $_size_execute0_lowered;
	s1 =	sadd.s32 s1, s3;
	[dreg:$0x0] =	wrdreg $0x0  }
0xa5: {  	s3 =	sshll.u32 s25, $0x1;
	[dreg:$0x2] =	wrdreg s1  }
0xa6: {  	[dreg:$0x3] =	wrdreg s3  }
0xa7: {  	[dreg:$0x4] =	wrdreg $0xC0  }
0xa8: {  	_ =	task [dreg:s5], $0x5FFFF  }
0xa9: {  	[dreg:$0x1] =	wrdreg $0xFFFFFFFF  }
0xaa: {  	[dreg:$0x0] =	wrdreg $0x60  }
0xab: {  	[dreg:$0x2] =	wrdreg s0  }
0xac: {  	[dreg:$0x3] =	wrdreg s22  }
0xad: {  	[dreg:$0x4] =	wrdreg $0x9  }
0xae: {  	_ =	task.clear_ibuf [dreg:s5], $0x5FFFF;
	_ =	strace $0x90000046  }
0xaf: {  	s26 =	simm.s32 $0x9;
	_ =	strace $0x80000048  }
0xb0: {  	_ =	swait.ge [sflag:s26], $0x1  }
0xb1: {  	[sflag:s26] =	ssyncadd.s32 $0xFFFFFFFF  }
0xb2: {  	_ =	strace $0x90000048  }
0xb3: {  	_ =	sfence  }
0xb4: {  	s28 =	sld [smem:$0x0];
	_ =	sdelay $0x1  }
0xb5: {  	s29 =	srdreg.scid  }
0xb6: {  	s30 =	sshll.u32 s29, $0xD;
	s31 =	sshrl.u32 s29, $0x2  }
0xb7: {  	s2 =	sand.u32 $0x4000, s30;
	s1 =	sand.u32 $0x1, s29;
	s0 =	sadd.s32 s31, s28  }
0xb8: {  	s1 =	sor.u32 s2, s1;
	s0 =	sshll.u32 s0, $0x11  }
0xb9: {  	s0 =	sor.u32 s0, s1  }
0xba: {  	s0 =	sadd.s32 $0x8F2B, s0  }
0xbb: {  	[sflag:s0] =	ssyncadd.remote.s32 $0x1  }
0xbc: {  	_ =	sfence.sel $0xFFFF  }
0xbd: {  	[dreg:$0x0] =	wrdreg $0xFFFFFFFF;
	(pc) =	sbr.abs _section_cstart, $3  }
0xbe: {  	[dreg:$0x1] =	wrdreg $0xFFFFFFFF  }
0xbf: {  	_ =	task.clear_ibuf [dreg:s5], $0x2FFFF;
	_ =	strace $0x9FFFFFFF  }
0xc0: {  	(tm) =	ssettm $0x7FFFFFFF  }
0xc1: {  	_ =	shalt  }
tec
execute0_lowered:
.L_overlay_start_1:
0x0: {  	(tag) =	ssettag $0x1  }
0x1: {  	s3 =	rddreg [dreg:$0x0];
	s0 =	stileid.u32  }
0x2: {  	s2 =	rddreg [dreg:$0x1];
	s5 =	sshll.u32 s0, $0xE  }
0x3: {  	s1 =	rddreg [dreg:$0x2];
	s6 =	simm.s32 $0x0;
	s4 =	sand.u32 $0x4000, s5  }
0x4: {  	[smem:$0x7FF] =	sst s6;
	s7 =	sand.u32 $0x38000, s5;
	s8 =	sadd.s32 s3, s4  }
0x5: {  	_ =	strace $0x80000047;
	s5 =	sadd.s32 s5, s3;
	s7 =	sadd.s32 s7, s8  }
0x6: {  	[tilespmem:s6], [sflag:$0x1] =	stream.linear.gather [hbm4b:s7+s6], $0x4000, $0x38;
	[tilespmem:$0x10100] =	vst v63  }
0x7: {  	s20 =	simm.s32 $0x4000;
	s3 =	sadd.s32 $0x800, s5  }
0x8: {  	[tilespmem:s20], [sflag:$0x2] =	stream.linear.gather [hbm4b:s3+s6], $0x4000, $0x38;
	[tilespmem:$0x10100] =	vst v63  }
0x9: {  	s22 =	simm.s32 $0x8000;
	s21 =	sadd.s32 $0x1000, s5  }
0xa: {  	[tilespmem:s22], [sflag:$0x3] =	stream.linear.gather [hbm4b:s21+s6], $0x4000, $0x38;
	[tilespmem:$0x10100] =	vst v63  }
0xb: {  	s24 =	simm.s32 $0xC000;
	s25 =	simm.s32 $0x1;
	s23 =	sadd.s32 $0x1800, s5  }
0xc: {  	[tilespmem:s24], [sflag:$0x4] =	stream.linear.gather [hbm4b:s23+s6], $0x4000, $0x38;
	[tilespmem:$0x10100] =	vst v63  }
0xd: {  	_ =	swait.ge [sflag:s25], $0x4000  }
0xe: {  	s26 =	sand.u32 $0x70, s6;
	s28 =	sand.u32 $0x3C00, s6;
	[sflag:s25] =	ssyncset.done $0x0  }
0xf: {  	s29 =	sor.u32 s26, s28;
	[sflag:s25] =	ssyncadd.s32 $0xFFFFC000  }
0x10: {  	v0 =	vld [tilespmem:s29+$0x0]  }
0x11: {  	v2 =	vld [tilespmem:s29+$0x80]  }
0x12: {  	v3 =	vld [tilespmem:s29+$0x100]  }
0x13: {  	s30 =	sand.u32 $0x7, s6;
	v5 =	vld [tilespmem:s29+$0x180]  }
0x14: {  	s7 =	sshll.u32 s30, $0x4;
	v10 =	vld [tilespmem:s29+$0x200]  }
0x15: {  	v7 =	vimm.f32 $+Inf;
	v6 =	vimm.s32 $0x0;
	s9 =	simm.s32 $0x10;
	v16 =	vimm.f32 $+Inf;
	s8 =	simm.s32 $0x80;
	s7 =	sadd.s32 $0x0, s7;
	v9 =	vld [tilespmem:s29+$0x280]  }
0x16: {  	v17 =	vimm.f32 $+Inf;
	v19 =	vimm.s32 $0x0;
	v20 =	vimm.s32 $0x0;
	s10 =	sand.u32 $0x70, s9;
	s11 =	sand.u32 $0x3C00, s8;
	s31 =	sor.u32 $0x380, s7;
	v11 =	vld [tilespmem:s29+$0x300]  }
0x17: {  	v15 =	vimm.s32 $0x0;
	v21 =	vimm.s32 $0x0;
	v22 =	vimm.s32 $0x0;
	s10 =	sor.u32 s10, s11;
	v18 =	vld [tilespmem:s31+$0x0]  }
0x18: {  	v14 =	vimm.s32 $0x0;
	v13 =	vld [tilespmem:s10+$0x0];
	vm1 =	vlt.f32 v0, v7;
	vm0 =	vlt.f32 v2, v7  }
0x19: {  	v8 =	vld [tilespmem:s10+$0x80];
	vm3 =	vlt.f32 v3, v7;
	vm2 =	vlt.f32 v10, v7;
	v0 =	vsel vm1, v0, v7  }
0x1a: {  	s12 =	simm.s32 $0x1;
	s7 =	simm.s32 $0x1;
	v12 =	vld [tilespmem:s10+$0x100];
	v1 =	vsel vm1, s6, v6;
	v4 =	vsel vm0, v2, v7;
	vm1 =	vlt.f32 v5, v7  }
0x1b: {  	s11 =	simm.s32 $0x2;
	s3 =	sadd.s32 $0x200, s2;
	s13 =	sand.u32 $0x7, s7;
	v2 =	vsel vm3, v3, v7;
	v3 =	vsel vm1, v5, v7;
	v5 =	vsel vm2, v10, v7;
	v10 =	vld [tilespmem:s10+$0x180]  }
.LBB2_1:
0x1c: {  	p0 =	sne.s32 s11, $0x7F;
	s13 =	sshll.u32 s13, $0x4;
	v23 =	vld [tilespmem:s10+$0x200];
	vm4 =	vlt.f32 v9, v7;
	vm5 =	vlt.f32 v11, v16;
	vm6 =	vlt.f32 v18, v17  }
0x1d: {  	s9 =	sadd.s32 $0x10, s9;
	s13 =	sadd.s32 s13, s8;
	s8 =	sadd.s32 $0x80, s8;
	v7 =	vsel vm4, v9, v7;
	v9 =	vld [tilespmem:s10+$0x280];
	v16 =	vsel vm5, v11, v16;
	v17 =	vsel vm6, v18, v17;
	v24 =	vmovc v13  }
0x1e: {  	v6 =	vsel vm0, s6, v6;
	v19 =	vsel vm3, s6, v19;
	s14 =	sand.u32 $0x70, s9;
	v20 =	vsel vm6, s6, v20;
	s15 =	sand.u32 $0x3C00, s8;
	v11 =	vld [tilespmem:s10+$0x300];
	s13 =	sor.u32 $0x380, s13  }
.Ltmp0:
0x1f: {  	v15 =	vsel vm1, s6, v15;
	v21 =	vsel vm2, s6, v21;
	v22 =	vsel vm4, s6, v22;
	s10 =	sor.u32 s14, s15;
	v18 =	vld [tilespmem:s13+$0x0];
	v25 =	vmovc v12;
	(pc) =	sbr.rel @p0 .LBB2_1-.Ltmp0, $4  }
0x20: {  	v14 =	vsel vm5, s6, v14;
	s6 =	smov.u32 s7;
	s7 =	smov.u32 s11;
	vm1 =	vlt.f32 v24, v0;
	vm0 =	vlt.f32 v8, v4;
	v13 =	vld [tilespmem:s10+$0x0]  }
0x21: {  	v0 =	vsel vm1, v24, v0;
	v1 =	vsel vm1, s6, v1;
	v4 =	vsel vm0, v8, v4;
	v8 =	vld [tilespmem:s10+$0x80]  }
0x22: {  	s12 =	sadd.s32 $0x1, s12;
	vm3 =	vlt.f32 v25, v2;
	vm1 =	vlt.f32 v10, v3;
	vm2 =	vlt.f32 v23, v5;
	v12 =	vld [tilespmem:s10+$0x100]  }
0x23: {  	s11 =	sadd.s32 $0x1, s11;
	s13 =	sand.u32 $0x7, s12;
	v2 =	vsel vm3, v25, v2;
	v3 =	vsel vm1, v10, v3;
	v5 =	vsel vm2, v23, v5;
	v10 =	vld [tilespmem:s10+$0x180]  }
0x24: {  	s9 =	sshll.u32 s13, $0x4;
	v23 =	vld [tilespmem:s10+$0x200]  }
0x25: {  	v24 =	vld [tilespmem:s10+$0x280];
	s25 =	sadd.s32 $0x2000, s5;
	s8 =	sadd.s32 s9, s8  }
0x26: {  	v25 =	vld [tilespmem:s10+$0x300];
	s26 =	simm.s32 $0x0;
	s28 =	simm.s32 $0x2;
	s8 =	sor.u32 $0x380, s8  }
0x27: {  	v26 =	vld [tilespmem:s8+$0x0];
	[tilespmem:s26], [sflag:$0x1] =	stream.linear.gather [hbm4b:s25+s26], $0x4000, $0x38  }
0x28: {  	vm4 =	vlt.f32 v9, v7;
	vm5 =	vlt.f32 v11, v16;
	vm6 =	vlt.f32 v18, v17;
	_ =	swait.ge [sflag:s28], $0x4000  }
0x29: {  	v6 =	vsel vm0, s6, v6;
	v15 =	vsel vm1, s6, v15;
	v7 =	vsel vm4, v9, v7;
	s29 =	sand.u32 $0x70, s26;
	s9 =	sand.u32 $0x3C00, s26;
	[sflag:s28] =	ssyncset.done $0x0  }
0x2a: {  	v9 =	vsel vm5, v11, v16;
	v11 =	vsel vm6, v18, v17;
	v16 =	vsel vm3, s6, v19;
	s9 =	sor.u32 s29, s9;
	[sflag:s28] =	ssyncadd.s32 $0xFFFFC000  }
0x2b: {  	v17 =	vsel vm6, s6, v20;
	v18 =	vsel vm2, s6, v21;
	v19 =	vsel vm4, s6, v22;
	v20 =	vld [tilespmem:s9+$0x4000]  }
0x2c: {  	vm0 =	vlt.f32 v13, v0;
	v14 =	vsel vm5, s6, v14;
	vm1 =	vlt.f32 v8, v4;
	v28 =	vld [tilespmem:s9+$0x4080]  }
0x2d: {  	v22 =	vsel vm0, v13, v0;
	v27 =	vsel vm0, s7, v1;
	v8 =	vsel vm1, v8, v4;
	v29 =	vld [tilespmem:s9+$0x4100]  }
0x2e: {  	vm0 =	vlt.f32 v12, v2;
	v1 =	vsel vm1, s7, v6;
	vm2 =	vlt.f32 v10, v3;
	v31 =	vld [tilespmem:s9+$0x4180]  }
0x2f: {  	v12 =	vsel vm0, v12, v2;
	v2 =	vsel vm0, s7, v16;
	vm3 =	vlt.f32 v23, v5;
	v33 =	vld [tilespmem:s9+$0x4280]  }
0x30: {  	v30 =	vsel vm2, v10, v3;
	vm4 =	vlt.f32 v24, v7;
	vm5 =	vlt.f32 v25, v9;
	v34 =	vld [tilespmem:s9+$0x4300]  }
0x31: {  	s30 =	simm.s32 $0x80;
	s31 =	simm.s32 $0x10;
	v15 =	vsel vm2, s7, v15;
	v23 =	vsel vm3, v23, v5;
	v5 =	vsel vm4, s7, v19;
	v19 =	vld [tilespmem:s9+$0x4380]  }
0x32: {  	s6 =	sand.u32 $0x3C00, s30;
	s8 =	sand.u32 $0x70, s31;
	v24 =	vsel vm4, v24, v7;
	v25 =	vsel vm5, v25, v9;
	v32 =	vld [tilespmem:s9+$0x4200];
	vm6 =	vlt.f32 v26, v11  }
0x33: {  	s8 =	sor.u32 s8, s6;
	v4 =	vsel vm3, s7, v18;
	v13 =	vsel vm5, s7, v14;
	v26 =	vsel vm6, v26, v11  }
0x34: {  	v21 =	vld [tilespmem:s8+$0x4000];
	v0 =	vsel vm6, s7, v17;
	vm1 =	vlt.f32 v20, v22;
	vm0 =	vlt.f32 v28, v8  }
0x35: {  	v3 =	vld [tilespmem:s8+$0x4080];
	vm3 =	vlt.f32 v29, v12;
	vm4 =	vlt.f32 v31, v30;
	vm5 =	vlt.f32 v33, v24  }
0x36: {  	s7 =	simm.s32 $0x80;
	vm6 =	vlt.f32 v34, v25;
	vm2 =	vlt.f32 v19, v26;
	v7 =	vsel vm1, v20, v22;
	v20 =	vld [tilespmem:s8+$0x4100]  }
0x37: {  	v6 =	vld [tilespmem:s8+$0x4180];
	v9 =	vsel vm1, s7, v27;
	v8 =	vsel vm0, v28, v8;
	vm1 =	vlt.f32 v32, v23  }
0x38: {  	s10 =	simm.s32 $0x20;
	v16 =	vld [tilespmem:s8+$0x4200];
	v10 =	vsel vm3, v29, v12;
	v11 =	vsel vm4, v31, v30;
	v17 =	vsel vm5, v33, v24  }
0x39: {  	s11 =	simm.s32 $0x82;
	s6 =	simm.s32 $0x81;
	v14 =	vld [tilespmem:s8+$0x4280];
	s9 =	simm.s32 $0x100;
	v18 =	vsel vm6, v34, v25;
	v19 =	vsel vm2, v19, v26;
	v12 =	vsel vm1, v32, v23  }
.LBB2_3:
0x3a: {  	s12 =	sand.u32 $0x70, s10;
	s13 =	sand.u32 $0x3C00, s9;
	p0 =	sne.s32 s11, $0xFF;
	v22 =	vld [tilespmem:s8+$0x4300];
	v1 =	vsel vm0, s7, v1;
	v2 =	vsel vm3, s7, v2;
	v15 =	vsel vm4, s7, v15  }
0x3b: {  	v4 =	vsel vm1, s7, v4;
	v5 =	vsel vm5, s7, v5;
	v13 =	vsel vm6, s7, v13;
	v23 =	vld [tilespmem:s8+$0x4380];
	s8 =	sor.u32 s12, s13;
	v24 =	vmovc v20  }
0x3c: {  	vm1 =	vlt.f32 v21, v7;
	vm0 =	vlt.f32 v3, v8;
	v0 =	vsel vm2, s7, v0;
	s7 =	smov.u32 s6;
	s6 =	smov.u32 s11;
	v25 =	vld [tilespmem:s8+$0x4000]  }
.Ltmp1:
0x3d: {  	v7 =	vsel vm1, v21, v7;
	v9 =	vsel vm1, s7, v9;
	v8 =	vsel vm0, v3, v8;
	v3 =	vld [tilespmem:s8+$0x4080];
	(pc) =	sbr.rel @p0 .LBB2_3-.Ltmp1, $4  }
0x3e: {  	vm3 =	vlt.f32 v24, v10;
	vm4 =	vlt.f32 v6, v11;
	vm1 =	vlt.f32 v16, v12;
	v20 =	vld [tilespmem:s8+$0x4100]  }
0x3f: {  	v10 =	vsel vm3, v24, v10;
	v11 =	vsel vm4, v6, v11;
	v12 =	vsel vm1, v16, v12;
	v6 =	vld [tilespmem:s8+$0x4180]  }
0x40: {  	vm5 =	vlt.f32 v14, v17;
	vm6 =	vlt.f32 v22, v18;
	v16 =	vld [tilespmem:s8+$0x4200];
	vm2 =	vlt.f32 v23, v19  }
0x41: {  	s9 =	sadd.s32 $0x80, s9;
	s10 =	sadd.s32 $0x10, s10;
	s11 =	sadd.s32 $0x1, s11;
	v17 =	vsel vm5, v14, v17;
	v18 =	vsel vm6, v22, v18;
	v14 =	vld [tilespmem:s8+$0x4280];
	v19 =	vsel vm2, v23, v19;
	v21 =	vmovc v25  }
0x42: {  	s26 =	sadd.s32 $0x2800, s5  }
0x43: {  	v22 =	vld [tilespmem:s8+$0x4300];
	s9 =	simm.s32 $0x0;
	s10 =	simm.s32 $0x4000;
	s28 =	simm.s32 $0x3  }
0x44: {  	v23 =	vld [tilespmem:s8+$0x4380];
	[tilespmem:s10], [sflag:$0x2] =	stream.linear.gather [hbm4b:s26+s9], $0x4000, $0x38  }
0x45: {  	_ =	swait.ge [sflag:s28], $0x4000  }
0x46: {  	v1 =	vsel vm0, s7, v1;
	v2 =	vsel vm3, s7, v2;
	v15 =	vsel vm4, s7, v15;
	s29 =	sand.u32 $0x70, s9;
	s9 =	sand.u32 $0x3C00, s9;
	[sflag:s28] =	ssyncset.done $0x0  }
0x47: {  	v4 =	vsel vm1, s7, v4;
	v5 =	vsel vm5, s7, v5;
	v13 =	vsel vm6, s7, v13;
	s9 =	sor.u32 s29, s9;
	[sflag:s28] =	ssyncadd.s32 $0xFFFFC000  }
0x48: {  	vm0 =	vlt.f32 v21, v7;
	vm1 =	vlt.f32 v3, v8;
	v0 =	vsel vm2, s7, v0;
	v24 =	vld [tilespmem:s9+$0x8000]  }
0x49: {  	v25 =	vsel vm0, v21, v7;
	v26 =	vsel vm0, s6, v9;
	v8 =	vsel vm1, v3, v8;
	v27 =	vld [tilespmem:s9+$0x8080]  }
0x4a: {  	vm0 =	vlt.f32 v20, v10;
	v1 =	vsel vm1, s6, v1;
	vm2 =	vlt.f32 v6, v11;
	v28 =	vld [tilespmem:s9+$0x8100]  }
0x4b: {  	v29 =	vsel vm0, v20, v10;
	v2 =	vsel vm0, s6, v2;
	vm3 =	vlt.f32 v16, v12;
	v31 =	vld [tilespmem:s9+$0x8180]  }
0x4c: {  	v30 =	vsel vm2, v6, v11;
	v3 =	vsel vm2, s6, v15;
	v16 =	vsel vm3, v16, v12;
	v33 =	vld [tilespmem:s9+$0x8380]  }
0x4d: {  	s30 =	simm.s32 $0x80;
	s31 =	simm.s32 $0x10;
	vm4 =	vlt.f32 v14, v17;
	v4 =	vsel vm3, s6, v4;
	vm5 =	vlt.f32 v22, v18;
	v32 =	vld [tilespmem:s9+$0x8200]  }
0x4e: {  	s8 =	sand.u32 $0x70, s31;
	s7 =	sand.u32 $0x3C00, s30;
	vm6 =	vlt.f32 v23, v19;
	v17 =	vsel vm4, v14, v17;
	v18 =	vsel vm5, v22, v18;
	v22 =	vld [tilespmem:s9+$0x8280]  }
0x4f: {  	s8 =	sor.u32 s8, s7;
	v5 =	vsel vm4, s6, v5;
	v19 =	vsel vm6, v23, v19;
	v23 =	vld [tilespmem:s9+$0x8300];
	v6 =	vsel vm5, s6, v13  }
0x50: {  	v21 =	vld [tilespmem:s8+$0x8000];
	v0 =	vsel vm6, s6, v0;
	vm1 =	vlt.f32 v24, v25;
	vm0 =	vlt.f32 v27, v8  }
0x51: {  	s7 =	simm.s32 $0x100;
	v7 =	vld [tilespmem:s8+$0x8080];
	vm3 =	vlt.f32 v28, v29;
	vm4 =	vlt.f32 v31, v30;
	vm2 =	vlt.f32 v33, v19  }
0x52: {  	v20 =	vld [tilespmem:s8+$0x8100];
	v9 =	vsel vm1, v24, v25;
	v11 =	vsel vm1, s7, v26;
	v10 =	vsel vm0, v27, v8  }
0x53: {  	v15 =	vld [tilespmem:s8+$0x8280];
	vm1 =	vlt.f32 v32, v16;
	v12 =	vsel vm3, v28, v29;
	v13 =	vsel vm4, v31, v30  }
0x54: {  	s11 =	simm.s32 $0x102;
	v8 =	vld [tilespmem:s8+$0x8180];
	vm5 =	vlt.f32 v22, v17;
	vm6 =	vlt.f32 v23, v18;
	v19 =	vsel vm2, v33, v19  }
0x55: {  	s10 =	simm.s32 $0x20;
	s6 =	simm.s32 $0x101;
	s9 =	simm.s32 $0x100;
	v14 =	vsel vm1, v32, v16;
	v16 =	vld [tilespmem:s8+$0x8200];
	v17 =	vsel vm5, v22, v17;
	v18 =	vsel vm6, v23, v18  }
.LBB2_5:
0x56: {  	s12 =	sand.u32 $0x70, s10;
	s13 =	sand.u32 $0x3C00, s9;
	p0 =	sne.s32 s11, $0x17F;
	v22 =	vld [tilespmem:s8+$0x8300];
	v1 =	vsel vm0, s7, v1;
	v2 =	vsel vm3, s7, v2;
	v3 =	vsel vm4, s7, v3  }
0x57: {  	v4 =	vsel vm1, s7, v4;
	v5 =	vsel vm5, s7, v5;
	v6 =	vsel vm6, s7, v6;
	v23 =	vld [tilespmem:s8+$0x8380];
	s8 =	sor.u32 s12, s13;
	v24 =	vmovc v20  }
0x58: {  	vm1 =	vlt.f32 v21, v9;
	vm0 =	vlt.f32 v7, v10;
	v0 =	vsel vm2, s7, v0;
	s7 =	smov.u32 s6;
	s6 =	smov.u32 s11;
	v25 =	vld [tilespmem:s8+$0x8000]  }
.Ltmp2:
0x59: {  	v9 =	vsel vm1, v21, v9;
	v11 =	vsel vm1, s7, v11;
	v10 =	vsel vm0, v7, v10;
	v7 =	vld [tilespmem:s8+$0x8080];
	(pc) =	sbr.rel @p0 .LBB2_5-.Ltmp2, $4  }
0x5a: {  	vm3 =	vlt.f32 v24, v12;
	vm4 =	vlt.f32 v8, v13;
	vm1 =	vlt.f32 v16, v14;
	v20 =	vld [tilespmem:s8+$0x8100]  }
0x5b: {  	v12 =	vsel vm3, v24, v12;
	v13 =	vsel vm4, v8, v13;
	v14 =	vsel vm1, v16, v14;
	v8 =	vld [tilespmem:s8+$0x8180]  }
0x5c: {  	vm5 =	vlt.f32 v15, v17;
	vm6 =	vlt.f32 v22, v18;
	v16 =	vld [tilespmem:s8+$0x8200];
	vm2 =	vlt.f32 v23, v19  }
0x5d: {  	s9 =	sadd.s32 $0x80, s9;
	s10 =	sadd.s32 $0x10, s10;
	s11 =	sadd.s32 $0x1, s11;
	v17 =	vsel vm5, v15, v17;
	v18 =	vsel vm6, v22, v18;
	v15 =	vld [tilespmem:s8+$0x8280];
	v19 =	vsel vm2, v23, v19;
	v21 =	vmovc v25  }
0x5e: {  	s26 =	sadd.s32 $0x3000, s5  }
0x5f: {  	v22 =	vld [tilespmem:s8+$0x8300];
	s9 =	simm.s32 $0x0;
	s10 =	simm.s32 $0x8000;
	s28 =	simm.s32 $0x4  }
0x60: {  	v23 =	vld [tilespmem:s8+$0x8380];
	[tilespmem:s10], [sflag:$0x3] =	stream.linear.gather [hbm4b:s26+s9], $0x4000, $0x38  }
0x61: {  	_ =	swait.ge [sflag:s28], $0x4000  }
0x62: {  	v1 =	vsel vm0, s7, v1;
	v2 =	vsel vm3, s7, v2;
	v3 =	vsel vm4, s7, v3;
	s29 =	sand.u32 $0x70, s9;
	s9 =	sand.u32 $0x3C00, s9;
	[sflag:s28] =	ssyncset.done $0x0  }
0x63: {  	v4 =	vsel vm1, s7, v4;
	v5 =	vsel vm5, s7, v5;
	v6 =	vsel vm6, s7, v6;
	s9 =	sor.u32 s29, s9;
	[sflag:s28] =	ssyncadd.s32 $0xFFFFC000  }
0x64: {  	vm0 =	vlt.f32 v21, v9;
	vm1 =	vlt.f32 v7, v10;
	v0 =	vsel vm2, s7, v0;
	v24 =	vld [tilespmem:s9+$0xC000]  }
0x65: {  	v9 =	vsel vm0, v21, v9;
	v11 =	vsel vm0, s6, v11;
	v25 =	vsel vm1, v7, v10;
	v26 =	vld [tilespmem:s9+$0xC080]  }
0x66: {  	vm0 =	vlt.f32 v20, v12;
	v1 =	vsel vm1, s6, v1;
	vm3 =	vlt.f32 v16, v14;
	v27 =	vld [tilespmem:s9+$0xC100]  }
0x67: {  	vm2 =	vlt.f32 v8, v13;
	v28 =	vsel vm0, v20, v12;
	v16 =	vsel vm3, v16, v14;
	v14 =	vld [tilespmem:s9+$0xC180]  }
0x68: {  	v2 =	vsel vm0, s6, v2;
	v29 =	vsel vm2, v8, v13;
	v3 =	vsel vm2, s6, v3;
	v31 =	vld [tilespmem:s9+$0xC300]  }
0x69: {  	s30 =	simm.s32 $0x80;
	s31 =	simm.s32 $0x10;
	vm4 =	vlt.f32 v15, v17;
	v4 =	vsel vm3, s6, v4;
	vm5 =	vlt.f32 v22, v18;
	v32 =	vld [tilespmem:s9+$0xC380]  }
0x6a: {  	s8 =	sand.u32 $0x70, s31;
	s7 =	sand.u32 $0x3C00, s30;
	vm6 =	vlt.f32 v23, v19;
	v30 =	vld [tilespmem:s9+$0xC200];
	v17 =	vsel vm4, v15, v17;
	v5 =	vsel vm4, s6, v5  }
0x6b: {  	s8 =	sor.u32 s8, s7;
	v18 =	vsel vm5, v22, v18;
	v22 =	vsel vm6, v23, v19;
	v23 =	vld [tilespmem:s9+$0xC280];
	v6 =	vsel vm5, s6, v6  }
0x6c: {  	v21 =	vld [tilespmem:s8+$0xC000];
	v0 =	vsel vm6, s6, v0;
	vm1 =	vlt.f32 v24, v9;
	vm0 =	vlt.f32 v26, v25  }
0x6d: {  	s7 =	simm.s32 $0x180;
	v7 =	vld [tilespmem:s8+$0xC080];
	vm3 =	vlt.f32 v27, v28;
	vm4 =	vlt.f32 v14, v29;
	vm6 =	vlt.f32 v31, v18  }
0x6e: {  	v20 =	vld [tilespmem:s8+$0xC100];
	vm2 =	vlt.f32 v32, v22;
	v10 =	vsel vm1, v24, v9;
	v12 =	vsel vm1, s7, v11  }
0x6f: {  	v8 =	vld [tilespmem:s8+$0xC180];
	v11 =	vsel vm0, v26, v25;
	vm1 =	vlt.f32 v30, v16;
	v13 =	vsel vm3, v27, v28  }
0x70: {  	s11 =	simm.s32 $0x182;
	v19 =	vld [tilespmem:s8+$0xC200];
	v14 =	vsel vm4, v14, v29;
	vm5 =	vlt.f32 v23, v17;
	v15 =	vsel vm1, v30, v16  }
0x71: {  	s10 =	simm.s32 $0x20;
	s6 =	simm.s32 $0x181;
	s9 =	simm.s32 $0x100;
	v9 =	vld [tilespmem:s8+$0xC280];
	v16 =	vsel vm5, v23, v17;
	v17 =	vsel vm6, v31, v18;
	v18 =	vsel vm2, v32, v22  }
.LBB2_7:
0x72: {  	s12 =	sand.u32 $0x70, s10;
	s13 =	sand.u32 $0x3C00, s9;
	p0 =	sne.s32 s11, $0x1FF;
	v22 =	vld [tilespmem:s8+$0xC300];
	v1 =	vsel vm0, s7, v1;
	v2 =	vsel vm3, s7, v2;
	v3 =	vsel vm4, s7, v3  }
0x73: {  	v4 =	vsel vm1, s7, v4;
	v5 =	vsel vm5, s7, v5;
	v6 =	vsel vm6, s7, v6;
	v23 =	vld [tilespmem:s8+$0xC380];
	s8 =	sor.u32 s12, s13;
	v24 =	vmovc v20  }
0x74: {  	vm1 =	vlt.f32 v21, v10;
	vm0 =	vlt.f32 v7, v11;
	v0 =	vsel vm2, s7, v0;
	s7 =	smov.u32 s6;
	s6 =	smov.u32 s11;
	v25 =	vld [tilespmem:s8+$0xC000]  }
.Ltmp3:
0x75: {  	v10 =	vsel vm1, v21, v10;
	v12 =	vsel vm1, s7, v12;
	v11 =	vsel vm0, v7, v11;
	v7 =	vld [tilespmem:s8+$0xC080];
	(pc) =	sbr.rel @p0 .LBB2_7-.Ltmp3, $4  }
0x76: {  	vm3 =	vlt.f32 v24, v13;
	vm4 =	vlt.f32 v8, v14;
	vm1 =	vlt.f32 v19, v15;
	v20 =	vld [tilespmem:s8+$0xC100]  }
0x77: {  	v13 =	vsel vm3, v24, v13;
	v14 =	vsel vm4, v8, v14;
	v15 =	vsel vm1, v19, v15;
	v8 =	vld [tilespmem:s8+$0xC180]  }
0x78: {  	vm5 =	vlt.f32 v9, v16;
	vm6 =	vlt.f32 v22, v17;
	v19 =	vld [tilespmem:s8+$0xC200];
	vm2 =	vlt.f32 v23, v18  }
0x79: {  	s9 =	sadd.s32 $0x80, s9;
	s10 =	sadd.s32 $0x10, s10;
	s11 =	sadd.s32 $0x1, s11;
	v16 =	vsel vm5, v9, v16;
	v17 =	vsel vm6, v22, v17;
	v9 =	vld [tilespmem:s8+$0xC280];
	v18 =	vsel vm2, v23, v18;
	v21 =	vmovc v25  }
0x7a: {  	s5 =	sadd.s32 $0x3800, s5  }
0x7b: {  	v22 =	vld [tilespmem:s8+$0xC300];
	s23 =	simm.s32 $0x0;
	s9 =	simm.s32 $0xC000;
	s24 =	simm.s32 $0x1  }
0x7c: {  	v23 =	vld [tilespmem:s8+$0xC380];
	[tilespmem:s9], [sflag:$0x4] =	stream.linear.gather [hbm4b:s5+s23], $0x4000, $0x38  }
0x7d: {  	_ =	swait.ge [sflag:s24], $0x4000  }
0x7e: {  	v1 =	vsel vm0, s7, v1;
	v24 =	vsel vm3, s7, v2;
	v25 =	vsel vm4, s7, v3;
	s25 =	sand.u32 $0x70, s23;
	s10 =	sand.u32 $0x3C00, s23;
	[sflag:s24] =	ssyncset.done $0x0  }
0x7f: {  	v26 =	vsel vm1, s7, v4;
	v27 =	vsel vm5, s7, v5;
	v28 =	vsel vm6, s7, v6;
	s26 =	sor.u32 s25, s10;
	[sflag:s24] =	ssyncadd.s32 $0xFFFFC000  }
0x80: {  	vm0 =	vlt.f32 v21, v10;
	vm1 =	vlt.f32 v7, v11;
	v29 =	vsel vm2, s7, v0;
	v30 =	vld [tilespmem:s26+$0x0]  }
0x81: {  	v31 =	vsel vm0, v21, v10;
	v12 =	vsel vm0, s6, v12;
	v32 =	vsel vm1, v7, v11;
	v33 =	vld [tilespmem:s26+$0x80]  }
0x82: {  	vm0 =	vlt.f32 v20, v13;
	v5 =	vsel vm1, s6, v1;
	vm2 =	vlt.f32 v8, v14;
	v34 =	vld [tilespmem:s26+$0x100]  }
0x83: {  	s28 =	sand.u32 $0x7, s23;
	v35 =	vsel vm0, v20, v13;
	v6 =	vsel vm0, s6, v24;
	vm3 =	vlt.f32 v19, v15;
	v38 =	vld [tilespmem:s26+$0x180]  }
0x84: {  	s7 =	sshll.u32 s28, $0x4;
	v36 =	vsel vm2, v8, v14;
	v0 =	vsel vm2, s6, v25;
	v37 =	vsel vm3, v19, v15;
	v39 =	vld [tilespmem:s26+$0x200]  }
0x85: {  	s8 =	simm.s32 $0x10;
	s29 =	sadd.s32 $0x0, s7;
	s7 =	simm.s32 $0x80;
	vm4 =	vlt.f32 v9, v16;
	v7 =	vsel vm3, s6, v26;
	vm5 =	vlt.f32 v22, v17;
	v10 =	vld [tilespmem:s26+$0x280]  }
0x86: {  	s30 =	sand.u32 $0x70, s8;
	s11 =	sand.u32 $0x3C00, s7;
	s31 =	sor.u32 $0x380, s29;
	vm15 =	vlt.f32 v23, v18;
	v2 =	vsel vm4, v9, v16;
	v20 =	vld [tilespmem:s26+$0x300];
	v8 =	vsel vm4, s6, v27  }
0x87: {  	s9 =	sor.u32 s30, s11;
	v3 =	vsel vm5, v22, v17;
	v4 =	vsel vm15, v23, v18;
	v1 =	vsel vm5, s6, v28;
	v22 =	vld [tilespmem:s31+$0x0]  }
0x88: {  	v18 =	vsel vm15, s6, v29;
	v21 =	vld [tilespmem:s9+$0x0];
	vm1 =	vlt.f32 v30, v31;
	vm0 =	vlt.f32 v33, v32  }
0x89: {  	s6 =	simm.s32 $0x200;
	v9 =	vld [tilespmem:s9+$0x80];
	vm3 =	vlt.f32 v34, v35;
	vm2 =	vlt.f32 v39, v37;
	v11 =	vsel vm1, v30, v31  }
0x8a: {  	s10 =	simm.s32 $0x1;
	v19 =	vld [tilespmem:s9+$0x100];
	v13 =	vsel vm1, s6, v12;
	v12 =	vsel vm0, v33, v32;
	vm1 =	vlt.f32 v38, v36  }
0x8b: {  	s5 =	simm.s32 $0x201;
	s12 =	sand.u32 $0x7, s10;
	s11 =	simm.s32 $0x202;
	v14 =	vld [tilespmem:s9+$0x180];
	v15 =	vsel vm3, v34, v35;
	v17 =	vsel vm2, v39, v37;
	v16 =	vsel vm1, v38, v36  }
.LBB2_9:
0x8c: {  	p0 =	sne.s32 s11, $0x27F;
	s12 =	sshll.u32 s12, $0x4;
	v23 =	vld [tilespmem:s9+$0x200];
	vm4 =	vlt.f32 v10, v2;
	vm5 =	vlt.f32 v20, v3;
	vm6 =	vlt.f32 v22, v4  }
0x8d: {  	s8 =	sadd.s32 $0x10, s8;
	s12 =	sadd.s32 s12, s7;
	s7 =	sadd.s32 $0x80, s7;
	v2 =	vsel vm4, v10, v2;
	v10 =	vld [tilespmem:s9+$0x280];
	v3 =	vsel vm5, v20, v3;
	v4 =	vsel vm6, v22, v4;
	v24 =	vmovc v21  }
0x8e: {  	v5 =	vsel vm0, s6, v5;
	v6 =	vsel vm3, s6, v6;
	s13 =	sand.u32 $0x70, s8;
	v18 =	vsel vm6, s6, v18;
	s14 =	sand.u32 $0x3C00, s7;
	v20 =	vld [tilespmem:s9+$0x300];
	s12 =	sor.u32 $0x380, s12  }
.Ltmp4:
0x8f: {  	v0 =	vsel vm1, s6, v0;
	v7 =	vsel vm2, s6, v7;
	v8 =	vsel vm4, s6, v8;
	s9 =	sor.u32 s13, s14;
	v22 =	vld [tilespmem:s12+$0x0];
	v25 =	vmovc v19;
	(pc) =	sbr.rel @p0 .LBB2_9-.Ltmp4, $4  }
0x90: {  	v1 =	vsel vm5, s6, v1;
	s6 =	smov.u32 s5;
	s5 =	smov.u32 s11;
	vm1 =	vlt.f32 v24, v11;
	vm0 =	vlt.f32 v9, v12;
	v21 =	vld [tilespmem:s9+$0x0]  }
0x91: {  	v11 =	vsel vm1, v24, v11;
	v13 =	vsel vm1, s6, v13;
	v12 =	vsel vm0, v9, v12;
	v9 =	vld [tilespmem:s9+$0x80]  }
0x92: {  	s10 =	sadd.s32 $0x1, s10;
	vm3 =	vlt.f32 v25, v15;
	vm1 =	vlt.f32 v14, v16;
	vm2 =	vlt.f32 v23, v17;
	v19 =	vld [tilespmem:s9+$0x100]  }
0x93: {  	s11 =	sadd.s32 $0x1, s11;
	s12 =	sand.u32 $0x7, s10;
	v15 =	vsel vm3, v25, v15;
	v16 =	vsel vm1, v14, v16;
	v17 =	vsel vm2, v23, v17;
	v14 =	vld [tilespmem:s9+$0x180]  }
0x94: {  	s8 =	sshll.u32 s12, $0x4;
	v23 =	vld [tilespmem:s9+$0x200]  }
0x95: {  	v24 =	vld [tilespmem:s9+$0x280];
	s7 =	sadd.s32 s8, s7  }
0x96: {  	v25 =	vld [tilespmem:s9+$0x300];
	s26 =	simm.s32 $0x2;
	s7 =	sor.u32 $0x380, s7  }
0x97: {  	vm4 =	vlt.f32 v10, v2;
	vm5 =	vlt.f32 v20, v3;
	vm6 =	vlt.f32 v22, v4;
	s28 =	simm.s32 $0x0;
	v26 =	vld [tilespmem:s7+$0x0];
	_ =	swait.ge [sflag:s26], $0x4000  }
0x98: {  	v5 =	vsel vm0, s6, v5;
	v6 =	vsel vm3, s6, v6;
	v7 =	vsel vm2, s6, v7;
	s29 =	sand.u32 $0x70, s28;
	s8 =	sand.u32 $0x3C00, s28;
	[sflag:s26] =	ssyncset.done $0x0  }
0x99: {  	v2 =	vsel vm4, v10, v2;
	v3 =	vsel vm5, v20, v3;
	v4 =	vsel vm6, v22, v4;
	s8 =	sor.u32 s29, s8;
	[sflag:s26] =	ssyncadd.s32 $0xFFFFC000  }
0x9a: {  	v10 =	vsel vm6, s6, v18;
	v18 =	vsel vm1, s6, v0;
	v8 =	vsel vm4, s6, v8;
	v22 =	vld [tilespmem:s8+$0x4000]  }
0x9b: {  	vm0 =	vlt.f32 v21, v11;
	v20 =	vsel vm5, s6, v1;
	vm1 =	vlt.f32 v9, v12;
	v28 =	vld [tilespmem:s8+$0x4080]  }
0x9c: {  	v11 =	vsel vm0, v21, v11;
	vm2 =	vlt.f32 v14, v16;
	vm3 =	vlt.f32 v23, v17;
	v29 =	vld [tilespmem:s8+$0x4100]  }
0x9d: {  	v27 =	vsel vm0, s5, v13;
	v14 =	vsel vm2, v14, v16;
	v16 =	vsel vm3, v23, v17;
	v17 =	vld [tilespmem:s8+$0x4180]  }
0x9e: {  	v12 =	vsel vm1, v9, v12;
	vm0 =	vlt.f32 v19, v15;
	v1 =	vsel vm1, s5, v5;
	v30 =	vld [tilespmem:s8+$0x4280]  }
0x9f: {  	v19 =	vsel vm0, v19, v15;
	vm4 =	vlt.f32 v24, v2;
	vm5 =	vlt.f32 v25, v3;
	v31 =	vld [tilespmem:s8+$0x4300]  }
0xa0: {  	s30 =	simm.s32 $0x80;
	s31 =	simm.s32 $0x10;
	v15 =	vsel vm2, s5, v18;
	v24 =	vsel vm4, v24, v2;
	v25 =	vsel vm5, v25, v3;
	v32 =	vld [tilespmem:s8+$0x4380]  }
0xa1: {  	s6 =	sand.u32 $0x3C00, s30;
	s7 =	sand.u32 $0x70, s31;
	v23 =	vld [tilespmem:s8+$0x4200];
	v2 =	vsel vm0, s5, v6;
	v5 =	vsel vm4, s5, v8;
	vm6 =	vlt.f32 v26, v4  }
0xa2: {  	s7 =	sor.u32 s7, s6;
	v13 =	vsel vm5, s5, v20;
	v26 =	vsel vm6, v26, v4;
	v0 =	vsel vm6, s5, v10  }
0xa3: {  	v21 =	vld [tilespmem:s7+$0x4000];
	v4 =	vsel vm3, s5, v7;
	vm1 =	vlt.f32 v22, v11;
	vm0 =	vlt.f32 v28, v12  }
0xa4: {  	v3 =	vld [tilespmem:s7+$0x4080];
	vm3 =	vlt.f32 v29, v19;
	vm4 =	vlt.f32 v17, v14;
	vm5 =	vlt.f32 v30, v24  }
0xa5: {  	s6 =	simm.s32 $0x280;
	v20 =	vld [tilespmem:s7+$0x4100];
	vm6 =	vlt.f32 v31, v25;
	vm2 =	vlt.f32 v32, v26;
	v7 =	vsel vm1, v22, v11  }
0xa6: {  	v6 =	vld [tilespmem:s7+$0x4180];
	v9 =	vsel vm1, s6, v27;
	v8 =	vsel vm0, v28, v12;
	vm1 =	vlt.f32 v23, v16  }
0xa7: {  	s9 =	simm.s32 $0x20;
	v10 =	vsel vm3, v29, v19;
	v11 =	vsel vm4, v17, v14;
	v14 =	vld [tilespmem:s7+$0x4280];
	v17 =	vsel vm5, v30, v24  }
0xa8: {  	s10 =	simm.s32 $0x282;
	s8 =	simm.s32 $0x100;
	s5 =	simm.s32 $0x281;
	v18 =	vsel vm6, v31, v25;
	v19 =	vsel vm2, v32, v26;
	v12 =	vsel vm1, v23, v16;
	v16 =	vld [tilespmem:s7+$0x4200]  }
.LBB2_11:
0xa9: {  	s11 =	sand.u32 $0x70, s9;
	s12 =	sand.u32 $0x3C00, s8;
	p0 =	sne.s32 s10, $0x2FF;
	v22 =	vld [tilespmem:s7+$0x4300];
	v1 =	vsel vm0, s6, v1;
	v2 =	vsel vm3, s6, v2;
	v15 =	vsel vm4, s6, v15  }
0xaa: {  	v4 =	vsel vm1, s6, v4;
	v5 =	vsel vm5, s6, v5;
	v13 =	vsel vm6, s6, v13;
	v23 =	vld [tilespmem:s7+$0x4380];
	s7 =	sor.u32 s11, s12;
	v24 =	vmovc v20  }
0xab: {  	vm1 =	vlt.f32 v21, v7;
	vm0 =	vlt.f32 v3, v8;
	v0 =	vsel vm2, s6, v0;
	s6 =	smov.u32 s5;
	s5 =	smov.u32 s10;
	v25 =	vld [tilespmem:s7+$0x4000]  }
.Ltmp5:
0xac: {  	v7 =	vsel vm1, v21, v7;
	v9 =	vsel vm1, s6, v9;
	v8 =	vsel vm0, v3, v8;
	v3 =	vld [tilespmem:s7+$0x4080];
	(pc) =	sbr.rel @p0 .LBB2_11-.Ltmp5, $4  }
0xad: {  	vm3 =	vlt.f32 v24, v10;
	vm4 =	vlt.f32 v6, v11;
	vm1 =	vlt.f32 v16, v12;
	v20 =	vld [tilespmem:s7+$0x4100]  }
0xae: {  	v10 =	vsel vm3, v24, v10;
	v11 =	vsel vm4, v6, v11;
	v12 =	vsel vm1, v16, v12;
	v6 =	vld [tilespmem:s7+$0x4180]  }
0xaf: {  	vm5 =	vlt.f32 v14, v17;
	vm6 =	vlt.f32 v22, v18;
	v16 =	vld [tilespmem:s7+$0x4200];
	vm2 =	vlt.f32 v23, v19  }
0xb0: {  	s8 =	sadd.s32 $0x80, s8;
	s9 =	sadd.s32 $0x10, s9;
	s10 =	sadd.s32 $0x1, s10;
	v17 =	vsel vm5, v14, v17;
	v18 =	vsel vm6, v22, v18;
	v14 =	vld [tilespmem:s7+$0x4280];
	v19 =	vsel vm2, v23, v19;
	v21 =	vmovc v25  }
0xb1: {  	v22 =	vld [tilespmem:s7+$0x4300];
	s29 =	simm.s32 $0x3  }
0xb2: {  	v23 =	vld [tilespmem:s7+$0x4380];
	s8 =	simm.s32 $0x0;
	_ =	swait.ge [sflag:s29], $0x4000  }
0xb3: {  	v1 =	vsel vm0, s6, v1;
	v2 =	vsel vm3, s6, v2;
	v15 =	vsel vm4, s6, v15;
	s9 =	sand.u32 $0x70, s8;
	s8 =	sand.u32 $0x3C00, s8;
	[sflag:s29] =	ssyncset.done $0x0  }
0xb4: {  	v4 =	vsel vm1, s6, v4;
	v5 =	vsel vm5, s6, v5;
	v13 =	vsel vm6, s6, v13;
	s8 =	sor.u32 s9, s8;
	[sflag:s29] =	ssyncadd.s32 $0xFFFFC000  }
0xb5: {  	vm0 =	vlt.f32 v21, v7;
	vm1 =	vlt.f32 v3, v8;
	v0 =	vsel vm2, s6, v0;
	v24 =	vld [tilespmem:s8+$0x8000]  }
0xb6: {  	v25 =	vsel vm0, v21, v7;
	v26 =	vsel vm0, s5, v9;
	v8 =	vsel vm1, v3, v8;
	v27 =	vld [tilespmem:s8+$0x8080]  }
0xb7: {  	vm0 =	vlt.f32 v20, v10;
	v1 =	vsel vm1, s5, v1;
	vm2 =	vlt.f32 v6, v11;
	v28 =	vld [tilespmem:s8+$0x8100]  }
0xb8: {  	v29 =	vsel vm0, v20, v10;
	v2 =	vsel vm0, s5, v2;
	vm3 =	vlt.f32 v16, v12;
	v31 =	vld [tilespmem:s8+$0x8180]  }
0xb9: {  	v30 =	vsel vm2, v6, v11;
	v3 =	vsel vm2, s5, v15;
	v16 =	vsel vm3, v16, v12;
	v33 =	vld [tilespmem:s8+$0x8380]  }
0xba: {  	s30 =	simm.s32 $0x80;
	s31 =	simm.s32 $0x10;
	vm4 =	vlt.f32 v14, v17;
	v32 =	vld [tilespmem:s8+$0x8200];
	v4 =	vsel vm3, s5, v4;
	vm5 =	vlt.f32 v22, v18  }
0xbb: {  	s7 =	sand.u32 $0x70, s31;
	s6 =	sand.u32 $0x3C00, s30;
	vm6 =	vlt.f32 v23, v19;
	v17 =	vsel vm4, v14, v17;
	v18 =	vsel vm5, v22, v18;
	v22 =	vld [tilespmem:s8+$0x8280]  }
0xbc: {  	s7 =	sor.u32 s7, s6;
	v5 =	vsel vm4, s5, v5;
	v19 =	vsel vm6, v23, v19;
	v23 =	vld [tilespmem:s8+$0x8300];
	v6 =	vsel vm5, s5, v13  }
0xbd: {  	v21 =	vld [tilespmem:s7+$0x8000];
	v0 =	vsel vm6, s5, v0;
	vm1 =	vlt.f32 v24, v25;
	vm0 =	vlt.f32 v27, v8  }
0xbe: {  	s6 =	simm.s32 $0x300;
	v7 =	vld [tilespmem:s7+$0x8080];
	vm3 =	vlt.f32 v28, v29;
	vm4 =	vlt.f32 v31, v30;
	vm2 =	vlt.f32 v33, v19  }
0xbf: {  	v20 =	vld [tilespmem:s7+$0x8100];
	v9 =	vsel vm1, v24, v25;
	v11 =	vsel vm1, s6, v26;
	v10 =	vsel vm0, v27, v8  }
0xc0: {  	v15 =	vld [tilespmem:s7+$0x8280];
	vm1 =	vlt.f32 v32, v16;
	v12 =	vsel vm3, v28, v29;
	v13 =	vsel vm4, v31, v30  }
0xc1: {  	s10 =	simm.s32 $0x302;
	v8 =	vld [tilespmem:s7+$0x8180];
	v19 =	vsel vm2, v33, v19;
	vm5 =	vlt.f32 v22, v17;
	vm6 =	vlt.f32 v23, v18  }
0xc2: {  	s9 =	simm.s32 $0x20;
	s5 =	simm.s32 $0x301;
	s8 =	simm.s32 $0x100;
	v14 =	vsel vm1, v32, v16;
	v16 =	vld [tilespmem:s7+$0x8200];
	v17 =	vsel vm5, v22, v17;
	v18 =	vsel vm6, v23, v18  }
.LBB2_13:
0xc3: {  	s11 =	sand.u32 $0x70, s9;
	s12 =	sand.u32 $0x3C00, s8;
	p0 =	sne.s32 s10, $0x37F;
	v22 =	vld [tilespmem:s7+$0x8300];
	v1 =	vsel vm0, s6, v1;
	v2 =	vsel vm3, s6, v2;
	v3 =	vsel vm4, s6, v3  }
0xc4: {  	v4 =	vsel vm1, s6, v4;
	v5 =	vsel vm5, s6, v5;
	v6 =	vsel vm6, s6, v6;
	v23 =	vld [tilespmem:s7+$0x8380];
	s7 =	sor.u32 s11, s12;
	v24 =	vmovc v20  }
0xc5: {  	vm1 =	vlt.f32 v21, v9;
	vm0 =	vlt.f32 v7, v10;
	v0 =	vsel vm2, s6, v0;
	s6 =	smov.u32 s5;
	s5 =	smov.u32 s10;
	v25 =	vld [tilespmem:s7+$0x8000]  }
.Ltmp6:
0xc6: {  	v9 =	vsel vm1, v21, v9;
	v11 =	vsel vm1, s6, v11;
	v10 =	vsel vm0, v7, v10;
	v7 =	vld [tilespmem:s7+$0x8080];
	(pc) =	sbr.rel @p0 .LBB2_13-.Ltmp6, $4  }
0xc7: {  	vm3 =	vlt.f32 v24, v12;
	vm4 =	vlt.f32 v8, v13;
	vm1 =	vlt.f32 v16, v14;
	v20 =	vld [tilespmem:s7+$0x8100]  }
0xc8: {  	v12 =	vsel vm3, v24, v12;
	v13 =	vsel vm4, v8, v13;
	v14 =	vsel vm1, v16, v14;
	v8 =	vld [tilespmem:s7+$0x8180]  }
0xc9: {  	vm5 =	vlt.f32 v15, v17;
	vm6 =	vlt.f32 v22, v18;
	v16 =	vld [tilespmem:s7+$0x8200];
	vm2 =	vlt.f32 v23, v19  }
0xca: {  	s8 =	sadd.s32 $0x80, s8;
	s9 =	sadd.s32 $0x10, s9;
	s10 =	sadd.s32 $0x1, s10;
	v17 =	vsel vm5, v15, v17;
	v18 =	vsel vm6, v22, v18;
	v15 =	vld [tilespmem:s7+$0x8280];
	v19 =	vsel vm2, v23, v19;
	v21 =	vmovc v25  }
0xcb: {  	v22 =	vld [tilespmem:s7+$0x8300];
	s28 =	simm.s32 $0x4  }
0xcc: {  	v23 =	vld [tilespmem:s7+$0x8380];
	s8 =	simm.s32 $0x0;
	_ =	swait.ge [sflag:s28], $0x4000  }
0xcd: {  	s9 =	sand.u32 $0x70, s8;
	s8 =	sand.u32 $0x3C00, s8;
	[sflag:s28] =	ssyncset.done $0x0  }
0xce: {  	v1 =	vsel vm0, s6, v1;
	v2 =	vsel vm3, s6, v2;
	v3 =	vsel vm4, s6, v3;
	s29 =	sor.u32 s9, s8;
	[sflag:s28] =	ssyncadd.s32 $0xFFFFC000  }
0xcf: {  	v4 =	vsel vm1, s6, v4;
	v5 =	vsel vm5, s6, v5;
	vm1 =	vlt.f32 v7, v10;
	v25 =	vld [tilespmem:s29+$0xC000]  }
0xd0: {  	v24 =	vsel vm6, s6, v6;
	vm0 =	vlt.f32 v21, v9;
	v7 =	vsel vm1, v7, v10;
	v10 =	vld [tilespmem:s29+$0xC080]  }
0xd1: {  	v0 =	vsel vm2, s6, v0;
	v26 =	vsel vm0, v21, v9;
	vm3 =	vlt.f32 v16, v14;
	v27 =	vld [tilespmem:s29+$0xC100]  }
0xd2: {  	v11 =	vsel vm0, s5, v11;
	vm0 =	vlt.f32 v20, v12;
	v29 =	vsel vm3, v16, v14;
	v14 =	vld [tilespmem:s29+$0xC180]  }
0xd3: {  	vm2 =	vlt.f32 v8, v13;
	v28 =	vsel vm0, v20, v12;
	v12 =	vsel vm1, s5, v1;
	v30 =	vld [tilespmem:s29+$0xC200]  }
0xd4: {  	v9 =	vsel vm0, s5, v2;
	v8 =	vsel vm2, v8, v13;
	v6 =	vsel vm2, s5, v3;
	v32 =	vld [tilespmem:s29+$0xC280]  }
0xd5: {  	s30 =	simm.s32 $0x80;
	s31 =	simm.s32 $0x10;
	vm4 =	vlt.f32 v15, v17;
	v3 =	vld [tilespmem:s29+$0xC300];
	v4 =	vsel vm3, s5, v4;
	vm5 =	vlt.f32 v22, v18  }
0xd6: {  	s6 =	sand.u32 $0x3C00, s30;
	s8 =	sand.u32 $0x70, s31;
	vm6 =	vlt.f32 v23, v19;
	v31 =	vsel vm4, v15, v17;
	v2 =	vsel vm4, s5, v5  }
0xd7: {  	s6 =	sor.u32 s8, s6;
	v63 =	vld [tilespmem:s29+$0xC380];
	v22 =	vsel vm5, v22, v18;
	v23 =	vsel vm6, v23, v19;
	v1 =	vsel vm5, s5, v24  }
0xd8: {  	v21 =	vld [tilespmem:s6+$0xC000];
	v0 =	vsel vm6, s5, v0;
	vm0 =	vlt.f32 v25, v26;
	vm5 =	vlt.f32 v10, v7  }
0xd9: {  	v16 =	vld [tilespmem:s6+$0xC080];
	vm6 =	vlt.f32 v27, v28;
	vm4 =	vlt.f32 v14, v8;
	vm3 =	vlt.f32 v30, v29  }
0xda: {  	s5 =	simm.s32 $0x380;
	v18 =	vld [tilespmem:s6+$0xC100];
	vm2 =	vlt.f32 v32, v31;
	vm1 =	vlt.f32 v3, v22;
	v20 =	vsel vm0, v25, v26  }
0xdb: {  	v13 =	vld [tilespmem:s6+$0xC180];
	v19 =	vsel vm0, s5, v11;
	v17 =	vsel vm5, v10, v7;
	v15 =	vsel vm6, v27, v28  }
0xdc: {  	s7 =	simm.s32 $0x381;
	v14 =	vsel vm4, v14, v8;
	v10 =	vsel vm3, v30, v29;
	v11 =	vld [tilespmem:s6+$0xC200];
	vm0 =	vlt.f32 v63, v23  }
0xdd: {  	s10 =	simm.s32 $0x382;
	s9 =	simm.s32 $0x20;
	s8 =	simm.s32 $0x100;
	v7 =	vld [tilespmem:s6+$0xC280];
	v8 =	vsel vm2, v32, v31;
	v5 =	vsel vm1, v3, v22;
	v3 =	vsel vm0, v63, v23  }
.LBB2_15:
0xde: {  	s11 =	sand.u32 $0x70, s9;
	s12 =	sand.u32 $0x3C00, s8;
	p0 =	sne.s32 s10, $0x3FF;
	v22 =	vld [tilespmem:s6+$0xC300];
	v12 =	vsel vm5, s5, v12;
	v9 =	vsel vm6, s5, v9;
	v6 =	vsel vm4, s5, v6  }
0xdf: {  	v4 =	vsel vm3, s5, v4;
	v2 =	vsel vm2, s5, v2;
	v1 =	vsel vm1, s5, v1;
	v23 =	vld [tilespmem:s6+$0xC380];
	s6 =	sor.u32 s11, s12;
	v24 =	vmovc v18  }
0xe0: {  	vm1 =	vlt.f32 v21, v20;
	vm5 =	vlt.f32 v16, v17;
	v0 =	vsel vm0, s5, v0;
	s5 =	smov.u32 s7;
	s7 =	smov.u32 s10;
	v25 =	vld [tilespmem:s6+$0xC000]  }
.Ltmp7:
0xe1: {  	v20 =	vsel vm1, v21, v20;
	v19 =	vsel vm1, s5, v19;
	v17 =	vsel vm5, v16, v17;
	v16 =	vld [tilespmem:s6+$0xC080];
	(pc) =	sbr.rel @p0 .LBB2_15-.Ltmp7, $4  }
0xe2: {  	vm6 =	vlt.f32 v24, v15;
	vm4 =	vlt.f32 v13, v14;
	vm3 =	vlt.f32 v11, v10;
	v18 =	vld [tilespmem:s6+$0xC100]  }
0xe3: {  	v15 =	vsel vm6, v24, v15;
	v14 =	vsel vm4, v13, v14;
	v10 =	vsel vm3, v11, v10;
	v13 =	vld [tilespmem:s6+$0xC180]  }
0xe4: {  	vm2 =	vlt.f32 v7, v8;
	vm1 =	vlt.f32 v22, v5;
	v11 =	vld [tilespmem:s6+$0xC200];
	vm0 =	vlt.f32 v23, v3  }
0xe5: {  	s8 =	sadd.s32 $0x80, s8;
	s9 =	sadd.s32 $0x10, s9;
	s10 =	sadd.s32 $0x1, s10;
	v8 =	vsel vm2, v7, v8;
	v5 =	vsel vm1, v22, v5;
	v7 =	vld [tilespmem:s6+$0xC280];
	v3 =	vsel vm0, v23, v3;
	v21 =	vmovc v25  }
0xe6: {  	vm7 =	vlt.f32 v21, v20  }
0xe7: {  	v20 =	vsel vm7, v21, v20  }
0xe8: {  	(xrf0) =	vmin.scan.msk.f32 $0xffff, v20;
	_ =	sdelay $0x5  }
0xe9: {  	v49 =	vlaneseq.u32;
	v19 =	vsel vm7, s7, v19;
	v22, _, _ =	vpop (xrf0)  }
0xea: {  	v21 =	vor.u32 s4, v49;
	v19 =	vshll.u32 v19, $0x4;
	v22 =	vbroadcast v22, $0xF  }
0xeb: {  	v19 =	vadd.s32 v19, v21  }
0xec: {  	v19 =	vxor.u32 $0x80000000, v19;
	vm14 =	veq.f32 v20, v22  }
0xed: {  	vm15 =	vlt.f32 v16, v17;
	v19 =	vnsel vm14, $0xFFFFFFFF, v19  }
0xee: {  	v16 =	vsel vm15, v16, v17;
	(xrf0) =	vmin.scan.msk.u32 $0xffff, v19  }
0xef: {  	(xrf0) =	vmin.scan.msk.f32 $0xffff, v16;
	_ =	sdelay $0x4  }
0xf0: {  	v12 =	vsel vm5, s5, v12;
	v50, _, _ =	vpop (xrf0)  }
0xf1: {  	v12 =	vsel vm15, s7, v12;
	v51, _, _ =	vpop (xrf0)  }
0xf2: {  	v12 =	vshll.u32 v12, $0x4;
	v19 =	vbroadcast v51, $0xF  }
0xf3: {  	v12 =	vadd.s32 v12, v21  }
0xf4: {  	v12 =	vxor.u32 $0x80000000, v12;
	vm8 =	veq.f32 v16, v19  }
0xf5: {  	vm9 =	vlt.f32 v18, v15;
	v12 =	vnsel vm8, $0xFFFFFFFF, v12  }
0xf6: {  	v15 =	vsel vm9, v18, v15;
	(xrf0) =	vmin.scan.msk.u32 $0xffff, v12  }
0xf7: {  	(xrf0) =	vmin.scan.msk.f32 $0xffff, v15;
	_ =	sdelay $0x4  }
0xf8: {  	v9 =	vsel vm6, s5, v9;
	v12, _, _ =	vpop (xrf0)  }
0xf9: {  	v9 =	vsel vm9, s7, v9;
	v52, _, _ =	vpop (xrf0)  }
0xfa: {  	v9 =	vshll.u32 v9, $0x4;
	v16 =	vbroadcast v52, $0xF  }
0xfb: {  	v9 =	vadd.s32 v9, v21  }
0xfc: {  	v9 =	vxor.u32 $0x80000000, v9;
	vm10 =	veq.f32 v15, v16  }
0xfd: {  	vm11 =	vlt.f32 v13, v14;
	v9 =	vnsel vm10, $0xFFFFFFFF, v9  }
0xfe: {  	v13 =	vsel vm11, v13, v14;
	(xrf0) =	vmin.scan.msk.u32 $0xffff, v9  }
0xff: {  	(xrf0) =	vmin.scan.msk.f32 $0xffff, v13;
	_ =	sdelay $0x4  }
0x100: {  	v6 =	vsel vm4, s5, v6;
	v9, _, _ =	vpop (xrf0)  }
0x101: {  	v6 =	vsel vm11, s7, v6;
	v53, _, _ =	vpop (xrf0)  }
0x102: {  	v6 =	vshll.u32 v6, $0x4;
	v14 =	vbroadcast v53, $0xF  }
0x103: {  	v6 =	vadd.s32 v6, v21  }
0x104: {  	v6 =	vxor.u32 $0x80000000, v6;
	vm12 =	veq.f32 v13, v14  }
0x105: {  	vm13 =	vlt.f32 v11, v10;
	v6 =	vnsel vm12, $0xFFFFFFFF, v6  }
0x106: {  	v10 =	vsel vm13, v11, v10;
	(xrf0) =	vmin.scan.msk.u32 $0xffff, v6  }
0x107: {  	(xrf0) =	vmin.scan.msk.f32 $0xffff, v10;
	_ =	sdelay $0x4  }
0x108: {  	v4 =	vsel vm3, s5, v4;
	v6, _, _ =	vpop (xrf0)  }
0x109: {  	v4 =	vsel vm13, s7, v4;
	v54, _, _ =	vpop (xrf0)  }
0x10a: {  	v4 =	vshll.u32 v4, $0x4;
	v11 =	vbroadcast v54, $0xF  }
0x10b: {  	v4 =	vadd.s32 v4, v21  }
0x10c: {  	v4 =	vxor.u32 $0x80000000, v4;
	vm14 =	veq.f32 v10, v11  }
0x10d: {  	vm15 =	vlt.f32 v7, v8;
	v4 =	vnsel vm14, $0xFFFFFFFF, v4  }
0x10e: {  	v7 =	vsel vm15, v7, v8;
	(xrf0) =	vmin.scan.msk.u32 $0xffff, v4  }
0x10f: {  	(xrf0) =	vmin.scan.msk.f32 $0xffff, v7;
	_ =	sdelay $0x4  }
0x110: {  	v55 =	vld [tilespmem:s6+$0xC300];
	v2 =	vsel vm2, s5, v2;
	v56, _, _ =	vpop (xrf0)  }
0x111: {  	v2 =	vsel vm15, s7, v2;
	v57, _, _ =	vpop (xrf0)  }
0x112: {  	v2 =	vshll.u32 v2, $0x4;
	v10 =	vbroadcast v57, $0xF  }
0x113: {  	v2 =	vadd.s32 v2, v21  }
0x114: {  	v2 =	vxor.u32 $0x80000000, v2;
	vm7 =	veq.f32 v7, v10  }
0x115: {  	vm8 =	vlt.f32 v55, v5;
	v2 =	vnsel vm7, $0xFFFFFFFF, v2  }
0x116: {  	v4 =	vsel vm8, v55, v5;
	(xrf0) =	vmin.scan.msk.u32 $0xffff, v2  }
0x117: {  	(xrf0) =	vmin.scan.msk.f32 $0xffff, v4;
	_ =	sdelay $0x4  }
0x118: {  	v58 =	vld [tilespmem:s6+$0xC380];
	v1 =	vsel vm1, s5, v1;
	v59, _, _ =	vpop (xrf0)  }
0x119: {  	v1 =	vsel vm8, s7, v1;
	v60, _, _ =	vpop (xrf0)  }
0x11a: {  	v1 =	vshll.u32 v1, $0x4;
	v7 =	vbroadcast v60, $0xF  }
0x11b: {  	v1 =	vadd.s32 v1, v21  }
0x11c: {  	v1 =	vxor.u32 $0x80000000, v1;
	vm9 =	veq.f32 v4, v7  }
0x11d: {  	vm10 =	vlt.f32 v58, v3;
	v1 =	vnsel vm9, $0xFFFFFFFF, v1  }
0x11e: {  	v2 =	vsel vm10, v58, v3;
	(xrf0) =	vmin.scan.msk.u32 $0xffff, v1  }
0x11f: {  	(xrf0) =	vmin.scan.msk.f32 $0xffff, v2;
	_ =	sdelay $0x4  }
0x120: {  	v0 =	vsel vm0, s5, v0;
	v1, _, _ =	vpop (xrf0)  }
0x121: {  	v0 =	vsel vm10, s7, v0;
	v61, _, _ =	vpop (xrf0)  }
0x122: {  	v0 =	vshll.u32 v0, $0x4;
	v3 =	vbroadcast v61, $0xF  }
0x123: {  	v0 =	vadd.s32 v0, v21  }
0x124: {  	(v2sf) =	vpush v50, $0xF;
	v0 =	vxor.u32 $0x80000000, v0;
	vm11 =	veq.f32 v2, v3  }
0x125: {  	v0 =	vnsel vm11, $0xFFFFFFFF, v0  }
0x126: {  	(v2sf) =	vpush v12, $0xF;
	(xrf0) =	vmin.scan.msk.u32 $0xffff, v0  }
0x127: {  	(v2sf) =	vpush v9, $0xF  }
0x128: {  	(v2sf) =	vpush v6, $0xF  }
0x129: {  	(v2sf) =	vpush v56, $0xF  }
0x12a: {  	(v2sf) =	vpush v59, $0xF;
	_ =	sdelay $0x1  }
0x12b: {  	(v2sf) =	vpush v1, $0xF;
	v0, _, _ =	vpop (xrf0)  }
0x12c: {  	(v2sf) =	vpush v0, $0xF;
	_ =	sdelay $0x5  }
0x12d: {  	vm4 =	vcmask $0xF20;
	vm5 =	vcmask $0x300;
	s16 =	spop (v2sf)  }
0x12e: {  	vm6 =	vcmask $0x704;
	vm13 =	vcmask $0x320;
	s4 =	sxor.u32 $0x80000000, s16;
	vm12 =	vmmov $0x1  }
0x12f: {  	vm15 =	vcmask $0xB20;
	v63 =	vmov s4;
	s17 =	spop (v2sf);
	v62 =	vnsel vm12, $0x0, v22  }
0x130: {  	s5 =	sxor.u32 $0x80000000, s17;
	vm12 =	vcmask $0x1714;
	s18 =	spop (v2sf);
	vm14 =	vcmask $0x720;
	v1 =	vnsel vm5, $0x0, v63  }
0x131: {  	s4 =	sxor.u32 $0x80000000, s18;
	vm8 =	vcmask $0xB08;
	s19 =	spop (v2sf);
	v1 =	vsel vm6, s5, v1;
	v0 =	vsel vm13, v62, v19  }
0x132: {  	s6 =	sxor.u32 $0x80000000, s19;
	s20 =	spop (v2sf);
	vm9 =	vcmask $0xF0C;
	v1 =	vsel vm8, s4, v1;
	v0 =	vsel vm14, v0, v16  }
0x133: {  	s5 =	sxor.u32 $0x80000000, s20;
	s21 =	spop (v2sf);
	v1 =	vsel vm9, s6, v1;
	vm11 =	vcmask $0x1310;
	v0 =	vsel vm15, v0, v14  }
0x134: {  	vm7 =	vcmask $0x1320;
	s4 =	sxor.u32 $0x80000000, s21;
	v1 =	vsel vm11, s5, v1;
	v0 =	vsel vm4, v0, v11  }
0x135: {  	vm10 =	vcmask $0x1720;
	v1 =	vsel vm12, s4, v1;
	s22 =	spop (v2sf);
	v0 =	vsel vm7, v0, v10  }
0x136: {  	vm13 =	vcmask $0x1B20;
	vm14 =	vcmask $0x1B18;
	s23 =	sxor.u32 $0x80000000, s22;
	v0 =	vsel vm10, v0, v7;
	s24 =	spop (v2sf)  }
0x137: {  	vm15 =	vcmask $0x1F1C;
	v1 =	vsel vm14, s23, v1;
	v0 =	vsel vm13, v0, v3;
	s25 =	sxor.u32 $0x80000000, s24  }
0x138: {  	s26 =	sshll.u32 s0, $0x4;
	s28 =	simm.s32 $0x0;
	[tilespmem:$0x10000] =	vst v0;
	v1 =	vsel vm15, s25, v1  }
0x139: {  	s29 =	simm.s32 $0x10000;
	s30 =	simm.s32 $0x5;
	s2 =	sadd.s32 s2, s26;
	[tilespmem:$0x10080] =	vst v1  }
0x13a: {  	[hbm4b:s2+s28] =	stream.linear.scatter [tilespmem:s29], [sflag:$0x5], $0x80, $0x38;
	[tilespmem:$0x10100] =	vst v63  }
0x13b: {  	_ =	swait.ge [sflag:s30], $0x80  }
0x13c: {  	[sflag:s30] =	ssyncset.done $0x0  }
0x13d: {  	s31 =	simm.s32 $0x10080;
	s3 =	sadd.s32 s3, s26;
	[sflag:s30] =	ssyncadd.s32 $0xFFFFFF80  }
0x13e: {  	[hbm4b:s3+s28] =	stream.linear.scatter [tilespmem:s31], [sflag:$0x5], $0x80, $0x38;
	[tilespmem:$0x10100] =	vst v63  }
0x13f: {  	_ =	swait.ge [sflag:s30], $0x80  }
0x140: {  	[sflag:s30] =	ssyncset.done $0x0  }
0x141: {  	[sflag:s30] =	ssyncadd.s32 $0xFFFFFF80  }
0x142: {  	_ =	sfence.sel $0x180000  }
0x143: {  	[bflag:$0x0] =	sbarrier.arrive $0xFFFF  }
0x144: {  	p0 =	sne.s32 s0, $0x0;
	_ =	strace $0x90000047  }
0x145: {  	s0 =	sadd.s32 @!p0 $0x100000, s1;
	[bflag:$0x2] =	sbarrier.arrive $0xFFFF  }
0x146: {  	[sflag:s0] =	ssyncadd.tile.s32 @!p0 $0x1;
	_ =	shalt  }
.Lfunc_end2:
_tile_overlayer_lowered:
.L_overlay_start_2:
0x147: {  	(tag) =	ssettag $0x2  }
0x148: {  	s0 =	rddreg [dreg:$0x0];
	s2 =	stileid.u32  }
0x149: {  	s1 =	rddreg [dreg:$0x1];
	p0 =	sne.s32 s2, $0x0  }
0x14a: {  	s3 =	rddreg [dreg:$0x2];
	[bflag:$0x3] =	sbarrier.arrive $0xFFFF;
	s2 =	simm.s32 @!p0 $0x1C05  }
0x14b: {  	[timem:s3], [sflag:s2] =	dma.local @!p0 [hbm:s0], s1  }
0x14c: {  	s0 =	simm.s32 @!p0 $0x5  }
0x14d: {  	_ =	swait.ge @!p0 [sflag:s0], s1  }
0x14e: {  	s1 =	ssub.s32 @!p0 $0x0, s1;
	[sflag:s0] =	ssyncset.done @!p0 $0x0  }
0x14f: {  	[sflag:s0] =	ssyncadd.s32 @!p0 s1  }
0x150: {  	[bflag:$0x3] =	sbarrier.arrive $0xFFFF  }
0x151: {  	_ =	shalt  }

</sc_bundles>
